<compile_context>
chip_gen: v7x
topology: tpu7x:2x2x1
jax: 0.10.2.dev20260603
libtpu: 0.0.44.dev20260713+nightly
codegen_flags: <defaults>
</compile_context>

<pallas_src>
import functools

import jax
import jax.numpy as jnp
from jax import lax
from jax.experimental import pallas as pl
from jax.experimental.pallas import tpu as pltpu
from jax.experimental.pallas import tpu_sc as plsc

N = 10000
E = 320000
D = 128

NC = 2
NS = 16
NW = NC * NS

C = 128
BLK = 4
NBLK = 20
CHUNKS = BLK * NBLK
EP_TILE = CHUNKS * C
E_PAD = NW * EP_TILE

N_PAD = 10112
ROWS_TILE = N_PAD // NS

NCOMB = 18
H_USED = N_PAD * NCOMB
H_SIZE = 182272
H_TILE = H_SIZE // NS


def _sc_body(node_hbm, src_hbm, dst_hbm, eidx_hbm, z2_hbm, z1_hbm,
             agg_out, hist_out,
             src_b0, src_b1, dst_b0, dst_b1, eidx_b0, eidx_b1,
             rows0, rows1, ones_v, agg_s, hist_s,
             sem_i0, sem_i1, sem_g0, sem_g1, sem_s0, sem_s1, sem_h):
    cid = lax.axis_index("c")
    sid = lax.axis_index("s")
    wid = sid * NC + cid
    srcb = (src_b0, src_b1)
    dstb = (dst_b0, dst_b1)
    eidxb = (eidx_b0, eidx_b1)
    semi = (sem_i0, sem_i1)
    semg = (sem_g0, sem_g1)
    sems = (sem_s0, sem_s1)
    rows = (rows0, rows1)

    za = pltpu.async_copy(
        z2_hbm, agg_s.at[pl.ds(sid * ROWS_TILE, ROWS_TILE)], sem_h)
    zh = pltpu.async_copy(
        z1_hbm, hist_s.at[pl.ds(sid * H_TILE, H_TILE)], sem_h)
    za.wait()
    zh.wait()

    for c in range(C // 16):
        ones_v[pl.ds(c * 16, 16)] = jnp.ones((16,), jnp.float32)

    plsc.subcore_barrier()

    def issue_idx(b, s):
        sl = pl.ds(b * BLK, BLK)
        pltpu.async_copy(src_hbm.at[wid, sl], srcb[s], semi[s])
        pltpu.async_copy(dst_hbm.at[wid, sl], dstb[s], semi[s])
        pltpu.async_copy(eidx_hbm.at[wid, sl], eidxb[s], semi[s])

    def wait_idx(s):
        sl = pl.ds(0, BLK)
        pltpu.make_async_copy(src_hbm.at[0, sl], srcb[s], semi[s]).wait()
        pltpu.make_async_copy(dst_hbm.at[0, sl], dstb[s], semi[s]).wait()
        pltpu.make_async_copy(eidx_hbm.at[0, sl], eidxb[s], semi[s]).wait()

    issue_idx(0, 0)

    def pair_body(base, carry):
        for s in (0, 1):
            b = 2 * base + s
            wait_idx(s)

            @pl.when(b + 1 < NBLK)
            def _():
                issue_idx(b + 1, 1 - s)

            def gather(k, buf):
                return pltpu.async_copy(
                    node_hbm.at[srcb[s].at[k]], rows[buf], semg[buf])

            def scat(k, buf):
                a = pltpu.async_copy(
                    rows[buf], agg_s.at[dstb[s].at[k]], sems[buf], add=True)
                pltpu.async_copy(
                    ones_v, hist_s.at[eidxb[s].at[k]], sem_h, add=True)
                return a

            g0 = gather(0, 0)
            g1 = gather(1, 1)
            g0.wait()
            s0 = scat(0, 0)
            g1.wait()
            s1 = scat(1, 1)
            s0.wait()
            g2 = gather(2, 0)
            s1.wait()
            g3 = gather(3, 1)
            g2.wait()
            s2 = scat(2, 0)
            g3.wait()
            s3 = scat(3, 1)
            s2.wait()
            s3.wait()
            for _ in range(BLK):
                pltpu.make_async_copy(
                    ones_v, hist_s.at[eidxb[s].at[0]], sem_h).wait()
        return carry

    lax.fori_loop(0, NBLK // 2, pair_body, 0)

    plsc.subcore_barrier()

    wa = pltpu.async_copy(
        agg_s.at[pl.ds(sid * ROWS_TILE, ROWS_TILE)],
        agg_out.at[cid, pl.ds(sid * ROWS_TILE, ROWS_TILE)], sem_h)
    wh = pltpu.async_copy(
        hist_s.at[pl.ds(sid * H_TILE, H_TILE)],
        hist_out.at[cid, pl.ds(sid * H_TILE, H_TILE)], sem_h)
    wa.wait()
    wh.wait()


_sc_edge_agg = functools.partial(
    pl.kernel,
    out_type=(
        jax.ShapeDtypeStruct((NC, N_PAD, D), jnp.float32),
        jax.ShapeDtypeStruct((NC, H_SIZE), jnp.float32),
    ),
    mesh=plsc.VectorSubcoreMesh(core_axis_name="c", subcore_axis_name="s"),
    scratch_types=[
        pltpu.VMEM((BLK, C), jnp.int32),
        pltpu.VMEM((BLK, C), jnp.int32),
        pltpu.VMEM((BLK, C), jnp.int32),
        pltpu.VMEM((BLK, C), jnp.int32),
        pltpu.VMEM((BLK, C), jnp.int32),
        pltpu.VMEM((BLK, C), jnp.int32),
        pltpu.VMEM((C, D), jnp.float32),
        pltpu.VMEM((C, D), jnp.float32),
        pltpu.VMEM((C,), jnp.float32),
        pltpu.VMEM_SHARED((N_PAD, D), jnp.float32),
        pltpu.VMEM_SHARED((H_SIZE,), jnp.float32),
        pltpu.SemaphoreType.DMA,
        pltpu.SemaphoreType.DMA,
        pltpu.SemaphoreType.DMA,
        pltpu.SemaphoreType.DMA,
        pltpu.SemaphoreType.DMA,
        pltpu.SemaphoreType.DMA,
        pltpu.SemaphoreType.DMA,
    ],
)(_sc_body)


def _tc_body(agg_ref, hist_ref, ecomb_ref, w1_ref, b1_ref, w2_ref, b2_ref,
             gamma_ref, beta_ref, out_ref):
    hist = hist_ref[0, :N, :] + hist_ref[1, :N, :]
    agg = agg_ref[0, :N, :] + agg_ref[1, :N, :]
    agg = agg + jnp.dot(hist, ecomb_ref[...], preferred_element_type=jnp.float32)
    h = jnp.dot(agg, w1_ref[...], preferred_element_type=jnp.float32) + b1_ref[...]
    h = jnp.maximum(h, 0.0)
    h = jnp.dot(h, w2_ref[...], preferred_element_type=jnp.float32) + b2_ref[...]
    mean = jnp.mean(h, axis=0, keepdims=True)
    var = jnp.mean((h - mean) ** 2, axis=0, keepdims=True)
    out_ref[...] = (h - mean) * lax.rsqrt(var + 1e-5) * gamma_ref[...] + beta_ref[...]


_tc_mlp = pl.pallas_call(
    _tc_body,
    out_shape=jax.ShapeDtypeStruct((N, D), jnp.float32),
)


def kernel(node_feats, edge_index, edge_feat0, edge_feat1,
           emb0, emb1, W1, b1, W2, b2, gamma, beta):
    node_feats = node_feats.astype(jnp.float32)
    src = edge_index[0].astype(jnp.int32)
    dst = edge_index[1].astype(jnp.int32)
    f0 = edge_feat0.astype(jnp.int32)
    f1 = edge_feat1.astype(jnp.int32)

    pad = E_PAD - E
    dummy_dst = N + (jnp.arange(pad, dtype=jnp.int32) % (N_PAD - N))
    dummy_src = jnp.arange(pad, dtype=jnp.int32) % N
    src_p = jnp.concatenate([src, dummy_src]).reshape(NW, CHUNKS, C)
    dst_full = jnp.concatenate([dst, dummy_dst])
    f0_full = jnp.pad(f0, (0, pad))
    f1_full = jnp.pad(f1, (0, pad))
    eidx_p = (dst_full * NCOMB + f0_full * 3 + f1_full).reshape(NW, CHUNKS, C)
    dst_p = dst_full.reshape(NW, CHUNKS, C)

    z2 = jnp.zeros((ROWS_TILE, D), jnp.float32)
    z1 = jnp.zeros((H_TILE,), jnp.float32)

    agg2, hist2 = _sc_edge_agg(node_feats, src_p, dst_p, eidx_p, z2, z1)
    hist3 = hist2[:, :H_USED].reshape(NC, N_PAD, NCOMB)

    ecomb = (emb0[:, None, :] + emb1[None, :, :]).reshape(NCOMB, D)

    return _tc_mlp(agg2, hist3, ecomb, W1, b1.reshape(1, 2 * D), W2,
                   b2.reshape(1, D), gamma.reshape(1, D), beta.reshape(1, D))

# --- scband reference (transcript-rebuilt; emitter-appended) ---
"""Pipeline reference for scband-ginlayer-43765716746314 (READ-ONLY COPY).

The authoritative reference and input builder live on the scoring server;
editing this copy changes nothing except your own understanding.
"""

import jax, jax.numpy as jnp
import numpy as np

N = 10000
E = 320000
D = 128

def setup_inputs(seed: int = 0) -> dict:
    key = jax.random.key(seed)
    ks = jax.random.split(key, 12)
    node_feats = jax.random.normal(ks[0], (N, D), dtype=jnp.float32)
    edge_index = jax.random.randint(ks[1], (2, E), 0, N, dtype=jnp.int64 if jax.config.jax_enable_x64 else jnp.int32)
    edge_feat0 = jax.random.randint(ks[2], (E,), 0, 6)
    edge_feat1 = jax.random.randint(ks[3], (E,), 0, 3)
    # learned params
    emb0 = jax.random.uniform(ks[4], (6, D), dtype=jnp.float32, minval=-1.0, maxval=1.0) * float(np.sqrt(6.0 / (6 + D)))
    emb1 = jax.random.uniform(ks[5], (3, D), dtype=jnp.float32, minval=-1.0, maxval=1.0) * float(np.sqrt(6.0 / (3 + D)))
    W1 = jax.random.normal(ks[6], (D, 2 * D), dtype=jnp.float32) * (1.0 / np.sqrt(D))
    b1 = jnp.zeros((2 * D,), dtype=jnp.float32)
    W2 = jax.random.normal(ks[7], (2 * D, D), dtype=jnp.float32) * (1.0 / np.sqrt(2 * D))
    b2 = jnp.zeros((D,), dtype=jnp.float32)
    gamma = jnp.ones((D,), dtype=jnp.float32)
    beta = jnp.zeros((D,), dtype=jnp.float32)
    return {"node_feats": node_feats, "edge_index": edge_index, "edge_feat0": edge_feat0, "edge_feat1": edge_feat1,
            "emb0": emb0, "emb1": emb1, "W1": W1, "b1": b1, "W2": W2, "b2": b2, "gamma": gamma, "beta": beta}

def reference(node_feats, edge_index, edge_feat0, edge_feat1, emb0, emb1, W1, b1, W2, b2, gamma, beta):
    # edge embedding lookups, summed across categorical feature types
    edge_embeds = jnp.take(emb0, edge_feat0, axis=0) + jnp.take(emb1, edge_feat1, axis=0)
    src = edge_index[0]
    dst = edge_index[1]
    # message: u_add_e -> m = h_src + e ; reduce: sum over incoming edges at dst
    msg = jnp.take(node_feats, src, axis=0) + edge_embeds
    agg = jax.ops.segment_sum(msg, dst, num_segments=N)
    # MLP: Linear(D, 2D) -> ReLU -> Linear(2D, D)
    h = jax.nn.relu(agg @ W1 + b1)
    h = h @ W2 + b2
    # BatchNorm1d in training mode (batch statistics, biased variance)
    mean = jnp.mean(h, axis=0)
    var = jnp.var(h, axis=0)
    h = (h - mean) / jnp.sqrt(var + 1e-5) * gamma + beta
    # activation is None
    return h

if __name__ == "__main__":
    import jax
    _d = setup_inputs()
    print(jax.jit(kernel)(*tuple(_d.values())))

</pallas_src>

<mosaic_0001>
#map = affine_map<(d0, d1) -> (0, 0)>
#map1 = affine_map<(d0, d1) -> (0, 0, 0)>
#map2 = affine_map<(d0, d1) -> (0)>
module attributes {stable_mosaic.version = 14 : i64} {
  func.func @_sc_body(%arg0: i32, %arg1: i32, %arg2: memref<10000x128xf32, #tpu.memory_space<hbm>>, %arg3: memref<32x80x128xi32, #tpu.memory_space<hbm>>, %arg4: memref<32x80x128xi32, #tpu.memory_space<hbm>>, %arg5: memref<32x80x128xi32, #tpu.memory_space<hbm>>, %arg6: memref<632x128xf32, #tpu.memory_space<hbm>>, %arg7: memref<11392xf32, #tpu.memory_space<hbm>>, %arg8: memref<2x10112x128xf32, #tpu.memory_space<hbm>>, %arg9: memref<2x182272xf32, #tpu.memory_space<hbm>>, %arg10: memref<4x128xi32, #tpu.memory_space<vmem>>, %arg11: memref<4x128xi32, #tpu.memory_space<vmem>>, %arg12: memref<4x128xi32, #tpu.memory_space<vmem>>, %arg13: memref<4x128xi32, #tpu.memory_space<vmem>>, %arg14: memref<4x128xi32, #tpu.memory_space<vmem>>, %arg15: memref<4x128xi32, #tpu.memory_space<vmem>>, %arg16: memref<128x128xf32, #tpu.memory_space<vmem>>, %arg17: memref<128x128xf32, #tpu.memory_space<vmem>>, %arg18: memref<128xf32, #tpu.memory_space<vmem>>, %arg19: memref<10112x128xf32, #tpu.memory_space<vmem_shared>>, %arg20: memref<182272xf32, #tpu.memory_space<vmem_shared>>, %arg21: memref<!tpu.dma_semaphore, #tpu.memory_space<semaphore_mem>>, %arg22: memref<!tpu.dma_semaphore, #tpu.memory_space<semaphore_mem>>, %arg23: memref<!tpu.dma_semaphore, #tpu.memory_space<semaphore_mem>>, %arg24: memref<!tpu.dma_semaphore, #tpu.memory_space<semaphore_mem>>, %arg25: memref<!tpu.dma_semaphore, #tpu.memory_space<semaphore_mem>>, %arg26: memref<!tpu.dma_semaphore, #tpu.memory_space<semaphore_mem>>, %arg27: memref<!tpu.dma_semaphore, #tpu.memory_space<semaphore_mem>>) attributes {dimension_semantics = [#tpu.dimension_semantics<core_parallel>, #tpu.dimension_semantics<subcore_parallel>], iteration_bounds = array<i64: 2, 16>, scalar_prefetch = 0 : i64, scratch_operands = 18 : i64, tpu.core_type = #tpu.core_type<sc_vector_subcore>, window_params = [{transform_indices = #map}, {transform_indices = #map1}, {transform_indices = #map1}, {transform_indices = #map1}, {transform_indices = #map}, {transform_indices = #map2}, {transform_indices = #map1}, {transform_indices = #map}]} {
    %mul3A = arith.constant 2 : i32
    %mul3A_0 = arith.muli %arg1, %mul3A : i32
    %add3A = arith.addi %mul3A_0, %arg0 : i32
    %mul3A_1 = arith.constant 632 : i32
    %mul3A_2 = arith.muli %arg1, %mul3A_1 : i32
    %dma_start3A = arith.constant 0 : i32
    %dma_start3A_3 = tpu.memref_slice %arg19[%mul3A_2, %dma_start3A] : memref<10112x128xf32, #tpu.memory_space<vmem_shared>> -> memref<632x128xf32, #tpu.memory_space<vmem_shared>>
    tpu.enqueue_dma source(%arg6 : memref<632x128xf32, #tpu.memory_space<hbm>>) target(%dma_start3A_3 : memref<632x128xf32, #tpu.memory_space<vmem_shared>>) target_semaphore(%arg27 : memref<!tpu.dma_semaphore, #tpu.memory_space<semaphore_mem>>)
    %mul3A_4 = arith.constant 11392 : i32
    %mul3A_5 = arith.muli %arg1, %mul3A_4 : i32
    %dma_start3A_6 = tpu.memref_slice %arg20[%mul3A_5] : memref<182272xf32, #tpu.memory_space<vmem_shared>> -> memref<11392xf32, #tpu.memory_space<vmem_shared>>
    tpu.enqueue_dma source(%arg7 : memref<11392xf32, #tpu.memory_space<hbm>>) target(%dma_start3A_6 : memref<11392xf32, #tpu.memory_space<vmem_shared>>) target_semaphore(%arg27 : memref<!tpu.dma_semaphore, #tpu.memory_space<semaphore_mem>>)
    %dma_wait3A = arith.constant 0 : i32
    %dma_wait3A_7 = tpu.memref_slice %arg19[%mul3A_2, %dma_wait3A] : memref<10112x128xf32, #tpu.memory_space<vmem_shared>> -> memref<632x128xf32, #tpu.memory_space<vmem_shared>>
    tpu.wait_dma2 semaphore(%arg27 : memref<!tpu.dma_semaphore, #tpu.memory_space<semaphore_mem>>) src(%arg6 : memref<632x128xf32, #tpu.memory_space<hbm>>) dst(%dma_wait3A_7 : memref<632x128xf32, #tpu.memory_space<vmem_shared>>)
    %dma_wait3A_8 = tpu.memref_slice %arg20[%mul3A_5] : memref<182272xf32, #tpu.memory_space<vmem_shared>> -> memref<11392xf32, #tpu.memory_space<vmem_shared>>
    tpu.wait_dma2 semaphore(%arg27 : memref<!tpu.dma_semaphore, #tpu.memory_space<semaphore_mem>>) src(%arg7 : memref<11392xf32, #tpu.memory_space<hbm>>) dst(%dma_wait3A_8 : memref<11392xf32, #tpu.memory_space<vmem_shared>>)
    %broadcast_in_dim3A = arith.constant 1.000000e+00 : f32
    %broadcast_in_dim3A_9 = vector.broadcast %broadcast_in_dim3A : f32 to vector<16xf32>
    %swap3A = arith.constant 0 : index
    %swap3A_10 = tpu.vector_load %arg18[%swap3A] {strides = array<i32>} : memref<128xf32, #tpu.memory_space<vmem>>, vector<16xf32>,
    %swap3A_11 = vector.shape_cast %swap3A_10 : vector<16xf32> to vector<16xf32>
    %swap3A_12 = vector.shape_cast %broadcast_in_dim3A_9 : vector<16xf32> to vector<16xf32>
    tpu.vector_store %arg18[%swap3A], %swap3A_12 {strides = array<i32>} : memref<128xf32, #tpu.memory_space<vmem>>, vector<16xf32>,
    %broadcast_in_dim3A_13 = arith.constant 1.000000e+00 : f32
    %broadcast_in_dim3A_14 = vector.broadcast %broadcast_in_dim3A_13 : f32 to vector<16xf32>
    %swap3A_15 = arith.constant 16 : index
    %swap3A_16 = tpu.vector_load %arg18[%swap3A_15] {strides = array<i32>} : memref<128xf32, #tpu.memory_space<vmem>>, vector<16xf32>,
    %swap3A_17 = vector.shape_cast %swap3A_16 : vector<16xf32> to vector<16xf32>
    %swap3A_18 = vector.shape_cast %broadcast_in_dim3A_14 : vector<16xf32> to vector<16xf32>
    tpu.vector_store %arg18[%swap3A_15], %swap3A_18 {strides = array<i32>} : memref<128xf32, #tpu.memory_space<vmem>>, vector<16xf32>,
    %broadcast_in_dim3A_19 = arith.constant 1.000000e+00 : f32
    %broadcast_in_dim3A_20 = vector.broadcast %broadcast_in_dim3A_19 : f32 to vector<16xf32>
    %swap3A_21 = arith.constant 32 : index
    %swap3A_22 = tpu.vector_load %arg18[%swap3A_21] {strides = array<i32>} : memref<128xf32, #tpu.memory_space<vmem>>, vector<16xf32>,
    %swap3A_23 = vector.shape_cast %swap3A_22 : vector<16xf32> to vector<16xf32>
    %swap3A_24 = vector.shape_cast %broadcast_in_dim3A_20 : vector<16xf32> to vector<16xf32>
    tpu.vector_store %arg18[%swap3A_21], %swap3A_24 {strides = array<i32>} : memref<128xf32, #tpu.memory_space<vmem>>, vector<16xf32>,
    %broadcast_in_dim3A_25 = arith.constant 1.000000e+00 : f32
    %broadcast_in_dim3A_26 = vector.broadcast %broadcast_in_dim3A_25 : f32 to vector<16xf32>
    %swap3A_27 = arith.constant 48 : index
    %swap3A_28 = tpu.vector_load %arg18[%swap3A_27] {strides = array<i32>} : memref<128xf32, #tpu.memory_space<vmem>>, vector<16xf32>,
    %swap3A_29 = vector.shape_cast %swap3A_28 : vector<16xf32> to vector<16xf32>
    %swap3A_30 = vector.shape_cast %broadcast_in_dim3A_26 : vector<16xf32> to vector<16xf32>
    tpu.vector_store %arg18[%swap3A_27], %swap3A_30 {strides = array<i32>} : memref<128xf32, #tpu.memory_space<vmem>>, vector<16xf32>,
    %broadcast_in_dim3A_31 = arith.constant 1.000000e+00 : f32
    %broadcast_in_dim3A_32 = vector.broadcast %broadcast_in_dim3A_31 : f32 to vector<16xf32>
    %swap3A_33 = arith.constant 64 : index
    %swap3A_34 = tpu.vector_load %arg18[%swap3A_33] {strides = array<i32>} : memref<128xf32, #tpu.memory_space<vmem>>, vector<16xf32>,
    %swap3A_35 = vector.shape_cast %swap3A_34 : vector<16xf32> to vector<16xf32>
    %swap3A_36 = vector.shape_cast %broadcast_in_dim3A_32 : vector<16xf32> to vector<16xf32>
    tpu.vector_store %arg18[%swap3A_33], %swap3A_36 {strides = array<i32>} : memref<128xf32, #tpu.memory_space<vmem>>, vector<16xf32>,
    %broadcast_in_dim3A_37 = arith.constant 1.000000e+00 : f32
    %broadcast_in_dim3A_38 = vector.broadcast %broadcast_in_dim3A_37 : f32 to vector<16xf32>
    %swap3A_39 = arith.constant 80 : index
    %swap3A_40 = tpu.vector_load %arg18[%swap3A_39] {strides = array<i32>} : memref<128xf32, #tpu.memory_space<vmem>>, vector<16xf32>,
    %swap3A_41 = vector.shape_cast %swap3A_40 : vector<16xf32> to vector<16xf32>
    %swap3A_42 = vector.shape_cast %broadcast_in_dim3A_38 : vector<16xf32> to vector<16xf32>
    tpu.vector_store %arg18[%swap3A_39], %swap3A_42 {strides = array<i32>} : memref<128xf32, #tpu.memory_space<vmem>>, vector<16xf32>,
    %broadcast_in_dim3A_43 = arith.constant 1.000000e+00 : f32
    %broadcast_in_dim3A_44 = vector.broadcast %broadcast_in_dim3A_43 : f32 to vector<16xf32>
    %swap3A_45 = arith.constant 96 : index
    %swap3A_46 = tpu.vector_load %arg18[%swap3A_45] {strides = array<i32>} : memref<128xf32, #tpu.memory_space<vmem>>, vector<16xf32>,
    %swap3A_47 = vector.shape_cast %swap3A_46 : vector<16xf32> to vector<16xf32>
    %swap3A_48 = vector.shape_cast %broadcast_in_dim3A_44 : vector<16xf32> to vector<16xf32>
    tpu.vector_store %arg18[%swap3A_45], %swap3A_48 {strides = array<i32>} : memref<128xf32, #tpu.memory_space<vmem>>, vector<16xf32>,
    %broadcast_in_dim3A_49 = arith.constant 1.000000e+00 : f32
    %broadcast_in_dim3A_50 = vector.broadcast %broadcast_in_dim3A_49 : f32 to vector<16xf32>
    %swap3A_51 = arith.constant 112 : index
    %swap3A_52 = tpu.vector_load %arg18[%swap3A_51] {strides = array<i32>} : memref<128xf32, #tpu.memory_space<vmem>>, vector<16xf32>,
    %swap3A_53 = vector.shape_cast %swap3A_52 : vector<16xf32> to vector<16xf32>
    %swap3A_54 = vector.shape_cast %broadcast_in_dim3A_50 : vector<16xf32> to vector<16xf32>
    tpu.vector_store %arg18[%swap3A_51], %swap3A_54 {strides = array<i32>} : memref<128xf32, #tpu.memory_space<vmem>>, vector<16xf32>,
    %barrier3A = arith.constant 0 : index
    tpu.barrier barrier_id(%barrier3A)
    %dma_start3A_55 = arith.constant 0 : i32
    %dma_start3A_56 = arith.constant 0 : i32
    %dma_start3A_57 = tpu.memref_slice %arg3[%add3A, %dma_start3A_55, %dma_start3A_56] : memref<32x80x128xi32, #tpu.memory_space<hbm>> -> memref<1x4x128xi32, #tpu.memory_space<hbm>>
    %dma_start3A_58 = tpu.memref_squeeze %dma_start3A_57 : memref<1x4x128xi32, #tpu.memory_space<hbm>> -> memref<4x128xi32, #tpu.memory_space<hbm>>
    %dma_start3A_59 = arith.constant 0 : i32
    %dma_start3A_60 = arith.constant 0 : i32
    %dma_start3A_61 = tpu.memref_slice %arg3[%add3A, %dma_start3A_59, %dma_start3A_60] : memref<32x80x128xi32, #tpu.memory_space<hbm>> -> memref<1x4x128xi32, #tpu.memory_space<hbm>>
    %dma_start3A_62 = tpu.memref_squeeze %dma_start3A_61 : memref<1x4x128xi32, #tpu.memory_space<hbm>> -> memref<4x128xi32, #tpu.memory_space<hbm>>
    tpu.enqueue_dma source(%dma_start3A_62 : memref<4x128xi32, #tpu.memory_space<hbm>>) target(%arg10 : memref<4x128xi32, #tpu.memory_space<vmem>>) target_semaphore(%arg21 : memref<!tpu.dma_semaphore, #tpu.memory_space<semaphore_mem>>)
    %dma_start3A_63 = arith.constant 0 : i32
    %dma_start3A_64 = arith.constant 0 : i32
    %dma_start3A_65 = tpu.memref_slice %arg4[%add3A, %dma_start3A_63, %dma_start3A_64] : memref<32x80x128xi32, #tpu.memory_space<hbm>> -> memref<1x4x128xi32, #tpu.memory_space<hbm>>
    %dma_start3A_66 = tpu.memref_squeeze %dma_start3A_65 : memref<1x4x128xi32, #tpu.memory_space<hbm>> -> memref<4x128xi32, #tpu.memory_space<hbm>>
    %dma_start3A_67 = arith.constant 0 : i32
    %dma_start3A_68 = arith.constant 0 : i32
    %dma_start3A_69 = tpu.memref_slice %arg4[%add3A, %dma_start3A_67, %dma_start3A_68] : memref<32x80x128xi32, #tpu.memory_space<hbm>> -> memref<1x4x128xi32, #tpu.memory_space<hbm>>
    %dma_start3A_70 = tpu.memref_squeeze %dma_start3A_69 : memref<1x4x128xi32, #tpu.memory_space<hbm>> -> memref<4x128xi32, #tpu.memory_space<hbm>>
    tpu.enqueue_dma source(%dma_start3A_70 : memref<4x128xi32, #tpu.memory_space<hbm>>) target(%arg12 : memref<4x128xi32, #tpu.memory_space<vmem>>) target_semaphore(%arg21 : memref<!tpu.dma_semaphore, #tpu.memory_space<semaphore_mem>>)
    %dma_start3A_71 = arith.constant 0 : i32
    %dma_start3A_72 = arith.constant 0 : i32
    %dma_start3A_73 = tpu.memref_slice %arg5[%add3A, %dma_start3A_71, %dma_start3A_72] : memref<32x80x128xi32, #tpu.memory_space<hbm>> -> memref<1x4x128xi32, #tpu.memory_space<hbm>>
    %dma_start3A_74 = tpu.memref_squeeze %dma_start3A_73 : memref<1x4x128xi32, #tpu.memory_space<hbm>> -> memref<4x128xi32, #tpu.memory_space<hbm>>
    %dma_start3A_75 = arith.constant 0 : i32
    %dma_start3A_76 = arith.constant 0 : i32
    %dma_start3A_77 = tpu.memref_slice %arg5[%add3A, %dma_start3A_75, %dma_start3A_76] : memref<32x80x128xi32, #tpu.memory_space<hbm>> -> memref<1x4x128xi32, #tpu.memory_space<hbm>>
    %dma_start3A_78 = tpu.memref_squeeze %dma_start3A_77 : memref<1x4x128xi32, #tpu.memory_space<hbm>> -> memref<4x128xi32, #tpu.memory_space<hbm>>
    tpu.enqueue_dma source(%dma_start3A_78 : memref<4x128xi32, #tpu.memory_space<hbm>>) target(%arg14 : memref<4x128xi32, #tpu.memory_space<vmem>>) target_semaphore(%arg21 : memref<!tpu.dma_semaphore, #tpu.memory_space<semaphore_mem>>)
    %scan3A = arith.constant 0 : i32
    %scan3A_79 = arith.constant 0 : i32
    %scan3A_80 = arith.constant 10 : i32
    %scan3A_81 = arith.addi %scan3A_79, %scan3A_80 : i32
    %scan3A_82 = arith.constant 1 : i32
    scf.for %scan3A_109 = %scan3A_79 to %scan3A_81 step %scan3A_82  : i32 {
      %mul3A_110 = arith.constant 2 : i32
      %mul3A_111 = arith.muli %mul3A_110, %scan3A_109 : i32
      %add3A_112 = arith.constant 0 : i32
      %add3A_113 = arith.addi %mul3A_111, %add3A_112 : i32
      %dma_wait3A_114 = arith.constant 0 : i32
      %dma_wait3A_115 = arith.constant 0 : i32
      %dma_wait3A_116 = arith.constant 0 : i32
      %dma_wait3A_117 = tpu.memref_slice %arg3[%dma_wait3A_114, %dma_wait3A_115, %dma_wait3A_116] : memref<32x80x128xi32, #tpu.memory_space<hbm>> -> memref<1x4x128xi32, #tpu.memory_space<hbm>>
      %dma_wait3A_118 = tpu.memref_squeeze %dma_wait3A_117 : memref<1x4x128xi32, #tpu.memory_space<hbm>> -> memref<4x128xi32, #tpu.memory_space<hbm>>
      %dma_wait3A_119 = arith.constant 0 : i32
      %dma_wait3A_120 = arith.constant 0 : i32
      %dma_wait3A_121 = tpu.memref_slice %arg3[%dma_wait3A_114, %dma_wait3A_119, %dma_wait3A_120] : memref<32x80x128xi32, #tpu.memory_space<hbm>> -> memref<1x4x128xi32, #tpu.memory_space<hbm>>
      %dma_wait3A_122 = tpu.memref_squeeze %dma_wait3A_121 : memref<1x4x128xi32, #tpu.memory_space<hbm>> -> memref<4x128xi32, #tpu.memory_space<hbm>>
      tpu.wait_dma2 semaphore(%arg21 : memref<!tpu.dma_semaphore, #tpu.memory_space<semaphore_mem>>) src(%dma_wait3A_122 : memref<4x128xi32, #tpu.memory_space<hbm>>) dst(%arg10 : memref<4x128xi32, #tpu.memory_space<vmem>>)
      %dma_wait3A_123 = arith.constant 0 : i32
      %dma_wait3A_124 = arith.constant 0 : i32
      %dma_wait3A_125 = arith.constant 0 : i32
      %dma_wait3A_126 = tpu.memref_slice %arg4[%dma_wait3A_123, %dma_wait3A_124, %dma_wait3A_125] : memref<32x80x128xi32, #tpu.memory_space<hbm>> -> memref<1x4x128xi32, #tpu.memory_space<hbm>>
      %dma_wait3A_127 = tpu.memref_squeeze %dma_wait3A_126 : memref<1x4x128xi32, #tpu.memory_space<hbm>> -> memref<4x128xi32, #tpu.memory_space<hbm>>
      %dma_wait3A_128 = arith.constant 0 : i32
      %dma_wait3A_129 = arith.constant 0 : i32
      %dma_wait3A_130 = tpu.memref_slice %arg4[%dma_wait3A_123, %dma_wait3A_128, %dma_wait3A_129] : memref<32x80x128xi32, #tpu.memory_space<hbm>> -> memref<1x4x128xi32, #tpu.memory_space<hbm>>
      %dma_wait3A_131 = tpu.memref_squeeze %dma_wait3A_130 : memref<1x4x128xi32, #tpu.memory_space<hbm>> -> memref<4x128xi32, #tpu.memory_space<hbm>>
      tpu.wait_dma2 semaphore(%arg21 : memref<!tpu.dma_semaphore, #tpu.memory_space<semaphore_mem>>) src(%dma_wait3A_131 : memref<4x128xi32, #tpu.memory_space<hbm>>) dst(%arg12 : memref<4x128xi32, #tpu.memory_space<vmem>>)
      %dma_wait3A_132 = arith.constant 0 : i32
      %dma_wait3A_133 = arith.constant 0 : i32
      %dma_wait3A_134 = arith.constant 0 : i32
      %dma_wait3A_135 = tpu.memref_slice %arg5[%dma_wait3A_132, %dma_wait3A_133, %dma_wait3A_134] : memref<32x80x128xi32, #tpu.memory_space<hbm>> -> memref<1x4x128xi32, #tpu.memory_space<hbm>>
      %dma_wait3A_136 = tpu.memref_squeeze %dma_wait3A_135 : memref<1x4x128xi32, #tpu.memory_space<hbm>> -> memref<4x128xi32, #tpu.memory_space<hbm>>
      %dma_wait3A_137 = arith.constant 0 : i32
      %dma_wait3A_138 = arith.constant 0 : i32
      %dma_wait3A_139 = tpu.memref_slice %arg5[%dma_wait3A_132, %dma_wait3A_137, %dma_wait3A_138] : memref<32x80x128xi32, #tpu.memory_space<hbm>> -> memref<1x4x128xi32, #tpu.memory_space<hbm>>
      %dma_wait3A_140 = tpu.memref_squeeze %dma_wait3A_139 : memref<1x4x128xi32, #tpu.memory_space<hbm>> -> memref<4x128xi32, #tpu.memory_space<hbm>>
      tpu.wait_dma2 semaphore(%arg21 : memref<!tpu.dma_semaphore, #tpu.memory_space<semaphore_mem>>) src(%dma_wait3A_140 : memref<4x128xi32, #tpu.memory_space<hbm>>) dst(%arg14 : memref<4x128xi32, #tpu.memory_space<vmem>>)
      %add3A_141 = arith.constant 1 : i32
      %add3A_142 = arith.addi %add3A_113, %add3A_141 : i32
      %lt3A = arith.constant 20 : i32
      %lt3A_143 = arith.cmpi slt, %add3A_142, %lt3A : i32
      %convert_element_type3A = arith.extui %lt3A_143 : i1 to i32
      %cond3A = arith.constant 0 : i32
      %cond3A_144 = arith.cmpi ne, %convert_element_type3A, %cond3A : i32
      scf.if %cond3A_144 {
        %add3A_503 = arith.constant 1 : i32
        %add3A_504 = arith.addi %add3A_113, %add3A_503 : i32
        %mul3A_505 = arith.constant 4 : i32
        %mul3A_506 = arith.muli %add3A_504, %mul3A_505 : i32
        %dma_start3A_507 = arith.constant 0 : i32
        %dma_start3A_508 = tpu.memref_slice %arg3[%add3A, %mul3A_506, %dma_start3A_507] : memref<32x80x128xi32, #tpu.memory_space<hbm>> -> memref<1x4x128xi32, #tpu.memory_space<hbm>>
        %dma_start3A_509 = tpu.memref_squeeze %dma_start3A_508 : memref<1x4x128xi32, #tpu.memory_space<hbm>> -> memref<4x128xi32, #tpu.memory_space<hbm>>
        %dma_start3A_510 = arith.constant 0 : i32
        %dma_start3A_511 = tpu.memref_slice %arg3[%add3A, %mul3A_506, %dma_start3A_510] : memref<32x80x128xi32, #tpu.memory_space<hbm>> -> memref<1x4x128xi32, #tpu.memory_space<hbm>>
        %dma_start3A_512 = tpu.memref_squeeze %dma_start3A_511 : memref<1x4x128xi32, #tpu.memory_space<hbm>> -> memref<4x128xi32, #tpu.memory_space<hbm>>
        tpu.enqueue_dma source(%dma_start3A_512 : memref<4x128xi32, #tpu.memory_space<hbm>>) target(%arg11 : memref<4x128xi32, #tpu.memory_space<vmem>>) target_semaphore(%arg22 : memref<!tpu.dma_semaphore, #tpu.memory_space<semaphore_mem>>)
        %dma_start3A_513 = arith.constant 0 : i32
        %dma_start3A_514 = tpu.memref_slice %arg4[%add3A, %mul3A_506, %dma_start3A_513] : memref<32x80x128xi32, #tpu.memory_space<hbm>> -> memref<1x4x128xi32, #tpu.memory_space<hbm>>
        %dma_start3A_515 = tpu.memref_squeeze %dma_start3A_514 : memref<1x4x128xi32, #tpu.memory_space<hbm>> -> memref<4x128xi32, #tpu.memory_space<hbm>>
        %dma_start3A_516 = arith.constant 0 : i32
        %dma_start3A_517 = tpu.memref_slice %arg4[%add3A, %mul3A_506, %dma_start3A_516] : memref<32x80x128xi32, #tpu.memory_space<hbm>> -> memref<1x4x128xi32, #tpu.memory_space<hbm>>
        %dma_start3A_518 = tpu.memref_squeeze %dma_start3A_517 : memref<1x4x128xi32, #tpu.memory_space<hbm>> -> memref<4x128xi32, #tpu.memory_space<hbm>>
        tpu.enqueue_dma source(%dma_start3A_518 : memref<4x128xi32, #tpu.memory_space<hbm>>) target(%arg13 : memref<4x128xi32, #tpu.memory_space<vmem>>) target_semaphore(%arg22 : memref<!tpu.dma_semaphore, #tpu.memory_space<semaphore_mem>>)
        %dma_start3A_519 = arith.constant 0 : i32
        %dma_start3A_520 = tpu.memref_slice %arg5[%add3A, %mul3A_506, %dma_start3A_519] : memref<32x80x128xi32, #tpu.memory_space<hbm>> -> memref<1x4x128xi32, #tpu.memory_space<hbm>>
        %dma_start3A_521 = tpu.memref_squeeze %dma_start3A_520 : memref<1x4x128xi32, #tpu.memory_space<hbm>> -> memref<4x128xi32, #tpu.memory_space<hbm>>
        %dma_start3A_522 = arith.constant 0 : i32
        %dma_start3A_523 = tpu.memref_slice %arg5[%add3A, %mul3A_506, %dma_start3A_522] : memref<32x80x128xi32, #tpu.memory_space<hbm>> -> memref<1x4x128xi32, #tpu.memory_space<hbm>>
        %dma_start3A_524 = tpu.memref_squeeze %dma_start3A_523 : memref<1x4x128xi32, #tpu.memory_space<hbm>> -> memref<4x128xi32, #tpu.memory_space<hbm>>
        tpu.enqueue_dma source(%dma_start3A_524 : memref<4x128xi32, #tpu.memory_space<hbm>>) target(%arg15 : memref<4x128xi32, #tpu.memory_space<vmem>>) target_semaphore(%arg22 : memref<!tpu.dma_semaphore, #tpu.memory_space<semaphore_mem>>)
      } else {
      }
      %dma_start3A_145 = arith.constant 0 : i32
      %dma_start3A_146 = arith.constant 0 : i32
      %dma_start3A_147 = tpu.memref_slice %arg10[%dma_start3A_145, %dma_start3A_146] : memref<4x128xi32, #tpu.memory_space<vmem>> -> memref<1x128xi32, #tpu.memory_space<vmem>>
      %dma_start3A_148 = tpu.memref_squeeze %dma_start3A_147 : memref<1x128xi32, #tpu.memory_space<vmem>> -> memref<128xi32, #tpu.memory_space<vmem>>
      %dma_start3A_149 = arith.constant 0 : i32
      %dma_start3A_150 = arith.constant 0 : i32
      %dma_start3A_151 = tpu.memref_slice %arg2[%dma_start3A_149, %dma_start3A_150] : memref<10000x128xf32, #tpu.memory_space<hbm>> -> memref<10000x128xf32, #tpu.memory_space<hbm>>
      tpu.enqueue_indirect_dma source(%dma_start3A_151 : memref<10000x128xf32, #tpu.memory_space<hbm>>) target(%arg16 : memref<128x128xf32, #tpu.memory_space<vmem>>) offsets(%dma_start3A_148 : memref<128xi32, #tpu.memory_space<vmem>>) semaphore(%arg23 : memref<!tpu.dma_semaphore, #tpu.memory_space<semaphore_mem>>)
      %dma_start3A_152 = arith.constant 1 : i32
      %dma_start3A_153 = arith.constant 0 : i32
      %dma_start3A_154 = tpu.memref_slice %arg10[%dma_start3A_152, %dma_start3A_153] : memref<4x128xi32, #tpu.memory_space<vmem>> -> memref<1x128xi32, #tpu.memory_space<vmem>>
      %dma_start3A_155 = tpu.memref_squeeze %dma_start3A_154 : memref<1x128xi32, #tpu.memory_space<vmem>> -> memref<128xi32, #tpu.memory_space<vmem>>
      %dma_start3A_156 = arith.constant 0 : i32
      %dma_start3A_157 = arith.constant 0 : i32
      %dma_start3A_158 = tpu.memref_slice %arg2[%dma_start3A_156, %dma_start3A_157] : memref<10000x128xf32, #tpu.memory_space<hbm>> -> memref<10000x128xf32, #tpu.memory_space<hbm>>
      tpu.enqueue_indirect_dma source(%dma_start3A_158 : memref<10000x128xf32, #tpu.memory_space<hbm>>) target(%arg17 : memref<128x128xf32, #tpu.memory_space<vmem>>) offsets(%dma_start3A_155 : memref<128xi32, #tpu.memory_space<vmem>>) semaphore(%arg24 : memref<!tpu.dma_semaphore, #tpu.memory_space<semaphore_mem>>)
      %dma_wait3A_159 = arith.constant 0 : i32
      %dma_wait3A_160 = arith.constant 0 : i32
      %dma_wait3A_161 = tpu.memref_slice %arg10[%dma_wait3A_159, %dma_wait3A_160] : memref<4x128xi32, #tpu.memory_space<vmem>> -> memref<1x128xi32, #tpu.memory_space<vmem>>
      %dma_wait3A_162 = tpu.memref_squeeze %dma_wait3A_161 : memref<1x128xi32, #tpu.memory_space<vmem>> -> memref<128xi32, #tpu.memory_space<vmem>>
      %dma_wait3A_163 = arith.constant 0 : i32
      %dma_wait3A_164 = arith.constant 0 : i32
      %dma_wait3A_165 = tpu.memref_slice %arg2[%dma_wait3A_163, %dma_wait3A_164] : memref<10000x128xf32, #tpu.memory_space<hbm>> -> memref<10000x128xf32, #tpu.memory_space<hbm>>
      tpu.wait_indirect_dma semaphore(%arg23 : memref<!tpu.dma_semaphore, #tpu.memory_space<semaphore_mem>>) src(%dma_wait3A_165 : memref<10000x128xf32, #tpu.memory_space<hbm>>) dst(%arg16 : memref<128x128xf32, #tpu.memory_space<vmem>>)
      %dma_start3A_166 = arith.constant 0 : i32
      %dma_start3A_167 = arith.constant 0 : i32
      %dma_start3A_168 = tpu.memref_slice %arg12[%dma_start3A_166, %dma_start3A_167] : memref<4x128xi32, #tpu.memory_space<vmem>> -> memref<1x128xi32, #tpu.memory_space<vmem>>
      %dma_start3A_169 = tpu.memref_squeeze %dma_start3A_168 : memref<1x128xi32, #tpu.memory_space<vmem>> -> memref<128xi32, #tpu.memory_space<vmem>>
      %dma_start3A_170 = arith.constant 0 : i32
      %dma_start3A_171 = arith.constant 0 : i32
      %dma_start3A_172 = tpu.memref_slice %arg19[%dma_start3A_170, %dma_start3A_171] : memref<10112x128xf32, #tpu.memory_space<vmem_shared>> -> memref<10112x128xf32, #tpu.memory_space<vmem_shared>>
      tpu.enqueue_indirect_dma source(%arg16 : memref<128x128xf32, #tpu.memory_space<vmem>>) target(%dma_start3A_172 : memref<10112x128xf32, #tpu.memory_space<vmem_shared>>) offsets(%dma_start3A_169 : memref<128xi32, #tpu.memory_space<vmem>>) semaphore(%arg25 : memref<!tpu.dma_semaphore, #tpu.memory_space<semaphore_mem>>) {add = true}
      %dma_start3A_173 = arith.constant 0 : i32
      %dma_start3A_174 = arith.constant 0 : i32
      %dma_start3A_175 = tpu.memref_slice %arg14[%dma_start3A_173, %dma_start3A_174] : memref<4x128xi32, #tpu.memory_space<vmem>> -> memref<1x128xi32, #tpu.memory_space<vmem>>
      %dma_start3A_176 = tpu.memref_squeeze %dma_start3A_175 : memref<1x128xi32, #tpu.memory_space<vmem>> -> memref<128xi32, #tpu.memory_space<vmem>>
      %dma_start3A_177 = arith.constant 0 : i32
      %dma_start3A_178 = tpu.memref_slice %arg20[%dma_start3A_177] : memref<182272xf32, #tpu.memory_space<vmem_shared>> -> memref<182272xf32, #tpu.memory_space<vmem_shared>>
      tpu.enqueue_indirect_dma source(%arg18 : memref<128xf32, #tpu.memory_space<vmem>>) target(%dma_start3A_178 : memref<182272xf32, #tpu.memory_space<vmem_shared>>) offsets(%dma_start3A_176 : memref<128xi32, #tpu.memory_space<vmem>>) semaphore(%arg27 : memref<!tpu.dma_semaphore, #tpu.memory_space<semaphore_mem>>) {add = true}
      %dma_wait3A_179 = arith.constant 1 : i32
      %dma_wait3A_180 = arith.constant 0 : i32
      %dma_wait3A_181 = tpu.memref_slice %arg10[%dma_wait3A_179, %dma_wait3A_180] : memref<4x128xi32, #tpu.memory_space<vmem>> -> memref<1x128xi32, #tpu.memory_space<vmem>>
      %dma_wait3A_182 = tpu.memref_squeeze %dma_wait3A_181 : memref<1x128xi32, #tpu.memory_space<vmem>> -> memref<128xi32, #tpu.memory_space<vmem>>
      %dma_wait3A_183 = arith.constant 0 : i32
      %dma_wait3A_184 = arith.constant 0 : i32
      %dma_wait3A_185 = tpu.memref_slice %arg2[%dma_wait3A_183, %dma_wait3A_184] : memref<10000x128xf32, #tpu.memory_space<hbm>> -> memref<10000x128xf32, #tpu.memory_space<hbm>>
      tpu.wait_indirect_dma semaphore(%arg24 : memref<!tpu.dma_semaphore, #tpu.memory_space<semaphore_mem>>) src(%dma_wait3A_185 : memref<10000x128xf32, #tpu.memory_space<hbm>>) dst(%arg17 : memref<128x128xf32, #tpu.memory_space<vmem>>)
      %dma_start3A_186 = arith.constant 1 : i32
      %dma_start3A_187 = arith.constant 0 : i32
      %dma_start3A_188 = tpu.memref_slice %arg12[%dma_start3A_186, %dma_start3A_187] : memref<4x128xi32, #tpu.memory_space<vmem>> -> memref<1x128xi32, #tpu.memory_space<vmem>>
      %dma_start3A_189 = tpu.memref_squeeze %dma_start3A_188 : memref<1x128xi32, #tpu.memory_space<vmem>> -> memref<128xi32, #tpu.memory_space<vmem>>
      %dma_start3A_190 = arith.constant 0 : i32
      %dma_start3A_191 = arith.constant 0 : i32
      %dma_start3A_192 = tpu.memref_slice %arg19[%dma_start3A_190, %dma_start3A_191] : memref<10112x128xf32, #tpu.memory_space<vmem_shared>> -> memref<10112x128xf32, #tpu.memory_space<vmem_shared>>
      tpu.enqueue_indirect_dma source(%arg17 : memref<128x128xf32, #tpu.memory_space<vmem>>) target(%dma_start3A_192 : memref<10112x128xf32, #tpu.memory_space<vmem_shared>>) offsets(%dma_start3A_189 : memref<128xi32, #tpu.memory_space<vmem>>) semaphore(%arg26 : memref<!tpu.dma_semaphore, #tpu.memory_space<semaphore_mem>>) {add = true}
      %dma_start3A_193 = arith.constant 1 : i32
      %dma_start3A_194 = arith.constant 0 : i32
      %dma_start3A_195 = tpu.memref_slice %arg14[%dma_start3A_193, %dma_start3A_194] : memref<4x128xi32, #tpu.memory_space<vmem>> -> memref<1x128xi32, #tpu.memory_space<vmem>>
      %dma_start3A_196 = tpu.memref_squeeze %dma_start3A_195 : memref<1x128xi32, #tpu.memory_space<vmem>> -> memref<128xi32, #tpu.memory_space<vmem>>
      %dma_start3A_197 = arith.constant 0 : i32
      %dma_start3A_198 = tpu.memref_slice %arg20[%dma_start3A_197] : memref<182272xf32, #tpu.memory_space<vmem_shared>> -> memref<182272xf32, #tpu.memory_space<vmem_shared>>
      tpu.enqueue_indirect_dma source(%arg18 : memref<128xf32, #tpu.memory_space<vmem>>) target(%dma_start3A_198 : memref<182272xf32, #tpu.memory_space<vmem_shared>>) offsets(%dma_start3A_196 : memref<128xi32, #tpu.memory_space<vmem>>) semaphore(%arg27 : memref<!tpu.dma_semaphore, #tpu.memory_space<semaphore_mem>>) {add = true}
      %dma_wait3A_199 = arith.constant 0 : i32
      %dma_wait3A_200 = arith.constant 0 : i32
      %dma_wait3A_201 = tpu.memref_slice %arg12[%dma_wait3A_199, %dma_wait3A_200] : memref<4x128xi32, #tpu.memory_space<vmem>> -> memref<1x128xi32, #tpu.memory_space<vmem>>
      %dma_wait3A_202 = tpu.memref_squeeze %dma_wait3A_201 : memref<1x128xi32, #tpu.memory_space<vmem>> -> memref<128xi32, #tpu.memory_space<vmem>>
      %dma_wait3A_203 = arith.constant 0 : i32
      %dma_wait3A_204 = arith.constant 0 : i32
      %dma_wait3A_205 = tpu.memref_slice %arg19[%dma_wait3A_203, %dma_wait3A_204] : memref<10112x128xf32, #tpu.memory_space<vmem_shared>> -> memref<10112x128xf32, #tpu.memory_space<vmem_shared>>
      tpu.wait_indirect_dma semaphore(%arg25 : memref<!tpu.dma_semaphore, #tpu.memory_space<semaphore_mem>>) src(%arg16 : memref<128x128xf32, #tpu.memory_space<vmem>>) dst(%dma_wait3A_205 : memref<10112x128xf32, #tpu.memory_space<vmem_shared>>)
      %dma_start3A_206 = arith.constant 2 : i32
      %dma_start3A_207 = arith.constant 0 : i32
      %dma_start3A_208 = tpu.memref_slice %arg10[%dma_start3A_206, %dma_start3A_207] : memref<4x128xi32, #tpu.memory_space<vmem>> -> memref<1x128xi32, #tpu.memory_space<vmem>>
      %dma_start3A_209 = tpu.memref_squeeze %dma_start3A_208 : memref<1x128xi32, #tpu.memory_space<vmem>> -> memref<128xi32, #tpu.memory_space<vmem>>
      %dma_start3A_210 = arith.constant 0 : i32
      %dma_start3A_211 = arith.constant 0 : i32
      %dma_start3A_212 = tpu.memref_slice %arg2[%dma_start3A_210, %dma_start3A_211] : memref<10000x128xf32, #tpu.memory_space<hbm>> -> memref<10000x128xf32, #tpu.memory_space<hbm>>
      tpu.enqueue_indirect_dma source(%dma_start3A_212 : memref<10000x128xf32, #tpu.memory_space<hbm>>) target(%arg16 : memref<128x128xf32, #tpu.memory_space<vmem>>) offsets(%dma_start3A_209 : memref<128xi32, #tpu.memory_space<vmem>>) semaphore(%arg23 : memref<!tpu.dma_semaphore, #tpu.memory_space<semaphore_mem>>)
      %dma_wait3A_213 = arith.constant 1 : i32
      %dma_wait3A_214 = arith.constant 0 : i32
      %dma_wait3A_215 = tpu.memref_slice %arg12[%dma_wait3A_213, %dma_wait3A_214] : memref<4x128xi32, #tpu.memory_space<vmem>> -> memref<1x128xi32, #tpu.memory_space<vmem>>
      %dma_wait3A_216 = tpu.memref_squeeze %dma_wait3A_215 : memref<1x128xi32, #tpu.memory_space<vmem>> -> memref<128xi32, #tpu.memory_space<vmem>>
      %dma_wait3A_217 = arith.constant 0 : i32
      %dma_wait3A_218 = arith.constant 0 : i32
      %dma_wait3A_219 = tpu.memref_slice %arg19[%dma_wait3A_217, %dma_wait3A_218] : memref<10112x128xf32, #tpu.memory_space<vmem_shared>> -> memref<10112x128xf32, #tpu.memory_space<vmem_shared>>
      tpu.wait_indirect_dma semaphore(%arg26 : memref<!tpu.dma_semaphore, #tpu.memory_space<semaphore_mem>>) src(%arg17 : memref<128x128xf32, #tpu.memory_space<vmem>>) dst(%dma_wait3A_219 : memref<10112x128xf32, #tpu.memory_space<vmem_shared>>)
      %dma_start3A_220 = arith.constant 3 : i32
      %dma_start3A_221 = arith.constant 0 : i32
      %dma_start3A_222 = tpu.memref_slice %arg10[%dma_start3A_220, %dma_start3A_221] : memref<4x128xi32, #tpu.memory_space<vmem>> -> memref<1x128xi32, #tpu.memory_space<vmem>>
      %dma_start3A_223 = tpu.memref_squeeze %dma_start3A_222 : memref<1x128xi32, #tpu.memory_space<vmem>> -> memref<128xi32, #tpu.memory_space<vmem>>
      %dma_start3A_224 = arith.constant 0 : i32
      %dma_start3A_225 = arith.constant 0 : i32
      %dma_start3A_226 = tpu.memref_slice %arg2[%dma_start3A_224, %dma_start3A_225] : memref<10000x128xf32, #tpu.memory_space<hbm>> -> memref<10000x128xf32, #tpu.memory_space<hbm>>
      tpu.enqueue_indirect_dma source(%dma_start3A_226 : memref<10000x128xf32, #tpu.memory_space<hbm>>) target(%arg17 : memref<128x128xf32, #tpu.memory_space<vmem>>) offsets(%dma_start3A_223 : memref<128xi32, #tpu.memory_space<vmem>>) semaphore(%arg24 : memref<!tpu.dma_semaphore, #tpu.memory_space<semaphore_mem>>)
      %dma_wait3A_227 = arith.constant 2 : i32
      %dma_wait3A_228 = arith.constant 0 : i32
      %dma_wait3A_229 = tpu.memref_slice %arg10[%dma_wait3A_227, %dma_wait3A_228] : memref<4x128xi32, #tpu.memory_space<vmem>> -> memref<1x128xi32, #tpu.memory_space<vmem>>
      %dma_wait3A_230 = tpu.memref_squeeze %dma_wait3A_229 : memref<1x128xi32, #tpu.memory_space<vmem>> -> memref<128xi32, #tpu.memory_space<vmem>>
      %dma_wait3A_231 = arith.constant 0 : i32
      %dma_wait3A_232 = arith.constant 0 : i32
      %dma_wait3A_233 = tpu.memref_slice %arg2[%dma_wait3A_231, %dma_wait3A_232] : memref<10000x128xf32, #tpu.memory_space<hbm>> -> memref<10000x128xf32, #tpu.memory_space<hbm>>
      tpu.wait_indirect_dma semaphore(%arg23 : memref<!tpu.dma_semaphore, #tpu.memory_space<semaphore_mem>>) src(%dma_wait3A_233 : memref<10000x128xf32, #tpu.memory_space<hbm>>) dst(%arg16 : memref<128x128xf32, #tpu.memory_space<vmem>>)
      %dma_start3A_234 = arith.constant 2 : i32
      %dma_start3A_235 = arith.constant 0 : i32
      %dma_start3A_236 = tpu.memref_slice %arg12[%dma_start3A_234, %dma_start3A_235] : memref<4x128xi32, #tpu.memory_space<vmem>> -> memref<1x128xi32, #tpu.memory_space<vmem>>
      %dma_start3A_237 = tpu.memref_squeeze %dma_start3A_236 : memref<1x128xi32, #tpu.memory_space<vmem>> -> memref<128xi32, #tpu.memory_space<vmem>>
      %dma_start3A_238 = arith.constant 0 : i32
      %dma_start3A_239 = arith.constant 0 : i32
      %dma_start3A_240 = tpu.memref_slice %arg19[%dma_start3A_238, %dma_start3A_239] : memref<10112x128xf32, #tpu.memory_space<vmem_shared>> -> memref<10112x128xf32, #tpu.memory_space<vmem_shared>>
      tpu.enqueue_indirect_dma source(%arg16 : memref<128x128xf32, #tpu.memory_space<vmem>>) target(%dma_start3A_240 : memref<10112x128xf32, #tpu.memory_space<vmem_shared>>) offsets(%dma_start3A_237 : memref<128xi32, #tpu.memory_space<vmem>>) semaphore(%arg25 : memref<!tpu.dma_semaphore, #tpu.memory_space<semaphore_mem>>) {add = true}
      %dma_start3A_241 = arith.constant 2 : i32
      %dma_start3A_242 = arith.constant 0 : i32
      %dma_start3A_243 = tpu.memref_slice %arg14[%dma_start3A_241, %dma_start3A_242] : memref<4x128xi32, #tpu.memory_space<vmem>> -> memref<1x128xi32, #tpu.memory_space<vmem>>
      %dma_start3A_244 = tpu.memref_squeeze %dma_start3A_243 : memref<1x128xi32, #tpu.memory_space<vmem>> -> memref<128xi32, #tpu.memory_space<vmem>>
      %dma_start3A_245 = arith.constant 0 : i32
      %dma_start3A_246 = tpu.memref_slice %arg20[%dma_start3A_245] : memref<182272xf32, #tpu.memory_space<vmem_shared>> -> memref<182272xf32, #tpu.memory_space<vmem_shared>>
      tpu.enqueue_indirect_dma source(%arg18 : memref<128xf32, #tpu.memory_space<vmem>>) target(%dma_start3A_246 : memref<182272xf32, #tpu.memory_space<vmem_shared>>) offsets(%dma_start3A_244 : memref<128xi32, #tpu.memory_space<vmem>>) semaphore(%arg27 : memref<!tpu.dma_semaphore, #tpu.memory_space<semaphore_mem>>) {add = true}
      %dma_wait3A_247 = arith.constant 3 : i32
      %dma_wait3A_248 = arith.constant 0 : i32
      %dma_wait3A_249 = tpu.memref_slice %arg10[%dma_wait3A_247, %dma_wait3A_248] : memref<4x128xi32, #tpu.memory_space<vmem>> -> memref<1x128xi32, #tpu.memory_space<vmem>>
      %dma_wait3A_250 = tpu.memref_squeeze %dma_wait3A_249 : memref<1x128xi32, #tpu.memory_space<vmem>> -> memref<128xi32, #tpu.memory_space<vmem>>
      %dma_wait3A_251 = arith.constant 0 : i32
      %dma_wait3A_252 = arith.constant 0 : i32
      %dma_wait3A_253 = tpu.memref_slice %arg2[%dma_wait3A_251, %dma_wait3A_252] : memref<10000x128xf32, #tpu.memory_space<hbm>> -> memref<10000x128xf32, #tpu.memory_space<hbm>>
      tpu.wait_indirect_dma semaphore(%arg24 : memref<!tpu.dma_semaphore, #tpu.memory_space<semaphore_mem>>) src(%dma_wait3A_253 : memref<10000x128xf32, #tpu.memory_space<hbm>>) dst(%arg17 : memref<128x128xf32, #tpu.memory_space<vmem>>)
      %dma_start3A_254 = arith.constant 3 : i32
      %dma_start3A_255 = arith.constant 0 : i32
      %dma_start3A_256 = tpu.memref_slice %arg12[%dma_start3A_254, %dma_start3A_255] : memref<4x128xi32, #tpu.memory_space<vmem>> -> memref<1x128xi32, #tpu.memory_space<vmem>>
      %dma_start3A_257 = tpu.memref_squeeze %dma_start3A_256 : memref<1x128xi32, #tpu.memory_space<vmem>> -> memref<128xi32, #tpu.memory_space<vmem>>
      %dma_start3A_258 = arith.constant 0 : i32
      %dma_start3A_259 = arith.constant 0 : i32
      %dma_start3A_260 = tpu.memref_slice %arg19[%dma_start3A_258, %dma_start3A_259] : memref<10112x128xf32, #tpu.memory_space<vmem_shared>> -> memref<10112x128xf32, #tpu.memory_space<vmem_shared>>
      tpu.enqueue_indirect_dma source(%arg17 : memref<128x128xf32, #tpu.memory_space<vmem>>) target(%dma_start3A_260 : memref<10112x128xf32, #tpu.memory_space<vmem_shared>>) offsets(%dma_start3A_257 : memref<128xi32, #tpu.memory_space<vmem>>) semaphore(%arg26 : memref<!tpu.dma_semaphore, #tpu.memory_space<semaphore_mem>>) {add = true}
      %dma_start3A_261 = arith.constant 3 : i32
      %dma_start3A_262 = arith.constant 0 : i32
      %dma_start3A_263 = tpu.memref_slice %arg14[%dma_start3A_261, %dma_start3A_262] : memref<4x128xi32, #tpu.memory_space<vmem>> -> memref<1x128xi32, #tpu.memory_space<vmem>>
      %dma_start3A_264 = tpu.memref_squeeze %dma_start3A_263 : memref<1x128xi32, #tpu.memory_space<vmem>> -> memref<128xi32, #tpu.memory_space<vmem>>
      %dma_start3A_265 = arith.constant 0 : i32
      %dma_start3A_266 = tpu.memref_slice %arg20[%dma_start3A_265] : memref<182272xf32, #tpu.memory_space<vmem_shared>> -> memref<182272xf32, #tpu.memory_space<vmem_shared>>
      tpu.enqueue_indirect_dma source(%arg18 : memref<128xf32, #tpu.memory_space<vmem>>) target(%dma_start3A_266 : memref<182272xf32, #tpu.memory_space<vmem_shared>>) offsets(%dma_start3A_264 : memref<128xi32, #tpu.memory_space<vmem>>) semaphore(%arg27 : memref<!tpu.dma_semaphore, #tpu.memory_space<semaphore_mem>>) {add = true}
      %dma_wait3A_267 = arith.constant 2 : i32
      %dma_wait3A_268 = arith.constant 0 : i32
      %dma_wait3A_269 = tpu.memref_slice %arg12[%dma_wait3A_267, %dma_wait3A_268] : memref<4x128xi32, #tpu.memory_space<vmem>> -> memref<1x128xi32, #tpu.memory_space<vmem>>
      %dma_wait3A_270 = tpu.memref_squeeze %dma_wait3A_269 : memref<1x128xi32, #tpu.memory_space<vmem>> -> memref<128xi32, #tpu.memory_space<vmem>>
      %dma_wait3A_271 = arith.constant 0 : i32
      %dma_wait3A_272 = arith.constant 0 : i32
      %dma_wait3A_273 = tpu.memref_slice %arg19[%dma_wait3A_271, %dma_wait3A_272] : memref<10112x128xf32, #tpu.memory_space<vmem_shared>> -> memref<10112x128xf32, #tpu.memory_space<vmem_shared>>
      tpu.wait_indirect_dma semaphore(%arg25 : memref<!tpu.dma_semaphore, #tpu.memory_space<semaphore_mem>>) src(%arg16 : memref<128x128xf32, #tpu.memory_space<vmem>>) dst(%dma_wait3A_273 : memref<10112x128xf32, #tpu.memory_space<vmem_shared>>)
      %dma_wait3A_274 = arith.constant 3 : i32
      %dma_wait3A_275 = arith.constant 0 : i32
      %dma_wait3A_276 = tpu.memref_slice %arg12[%dma_wait3A_274, %dma_wait3A_275] : memref<4x128xi32, #tpu.memory_space<vmem>> -> memref<1x128xi32, #tpu.memory_space<vmem>>
      %dma_wait3A_277 = tpu.memref_squeeze %dma_wait3A_276 : memref<1x128xi32, #tpu.memory_space<vmem>> -> memref<128xi32, #tpu.memory_space<vmem>>
      %dma_wait3A_278 = arith.constant 0 : i32
      %dma_wait3A_279 = arith.constant 0 : i32
      %dma_wait3A_280 = tpu.memref_slice %arg19[%dma_wait3A_278, %dma_wait3A_279] : memref<10112x128xf32, #tpu.memory_space<vmem_shared>> -> memref<10112x128xf32, #tpu.memory_space<vmem_shared>>
      tpu.wait_indirect_dma semaphore(%arg26 : memref<!tpu.dma_semaphore, #tpu.memory_space<semaphore_mem>>) src(%arg17 : memref<128x128xf32, #tpu.memory_space<vmem>>) dst(%dma_wait3A_280 : memref<10112x128xf32, #tpu.memory_space<vmem_shared>>)
      %dma_wait3A_281 = arith.constant 0 : i32
      %dma_wait3A_282 = arith.constant 0 : i32
      %dma_wait3A_283 = tpu.memref_slice %arg14[%dma_wait3A_281, %dma_wait3A_282] : memref<4x128xi32, #tpu.memory_space<vmem>> -> memref<1x128xi32, #tpu.memory_space<vmem>>
      %dma_wait3A_284 = tpu.memref_squeeze %dma_wait3A_283 : memref<1x128xi32, #tpu.memory_space<vmem>> -> memref<128xi32, #tpu.memory_space<vmem>>
      %dma_wait3A_285 = arith.constant 0 : i32
      %dma_wait3A_286 = tpu.memref_slice %arg20[%dma_wait3A_285] : memref<182272xf32, #tpu.memory_space<vmem_shared>> -> memref<182272xf32, #tpu.memory_space<vmem_shared>>
      tpu.wait_indirect_dma semaphore(%arg27 : memref<!tpu.dma_semaphore, #tpu.memory_space<semaphore_mem>>) src(%arg18 : memref<128xf32, #tpu.memory_space<vmem>>) dst(%dma_wait3A_286 : memref<182272xf32, #tpu.memory_space<vmem_shared>>)
      %dma_wait3A_287 = arith.constant 0 : i32
      %dma_wait3A_288 = arith.constant 0 : i32
      %dma_wait3A_289 = tpu.memref_slice %arg14[%dma_wait3A_287, %dma_wait3A_288] : memref<4x128xi32, #tpu.memory_space<vmem>> -> memref<1x128xi32, #tpu.memory_space<vmem>>
      %dma_wait3A_290 = tpu.memref_squeeze %dma_wait3A_289 : memref<1x128xi32, #tpu.memory_space<vmem>> -> memref<128xi32, #tpu.memory_space<vmem>>
      %dma_wait3A_291 = arith.constant 0 : i32
      %dma_wait3A_292 = tpu.memref_slice %arg20[%dma_wait3A_291] : memref<182272xf32, #tpu.memory_space<vmem_shared>> -> memref<182272xf32, #tpu.memory_space<vmem_shared>>
      tpu.wait_indirect_dma semaphore(%arg27 : memref<!tpu.dma_semaphore, #tpu.memory_space<semaphore_mem>>) src(%arg18 : memref<128xf32, #tpu.memory_space<vmem>>) dst(%dma_wait3A_292 : memref<182272xf32, #tpu.memory_space<vmem_shared>>)
      %dma_wait3A_293 = arith.constant 0 : i32
      %dma_wait3A_294 = arith.constant 0 : i32
      %dma_wait3A_295 = tpu.memref_slice %arg14[%dma_wait3A_293, %dma_wait3A_294] : memref<4x128xi32, #tpu.memory_space<vmem>> -> memref<1x128xi32, #tpu.memory_space<vmem>>
      %dma_wait3A_296 = tpu.memref_squeeze %dma_wait3A_295 : memref<1x128xi32, #tpu.memory_space<vmem>> -> memref<128xi32, #tpu.memory_space<vmem>>
      %dma_wait3A_297 = arith.constant 0 : i32
      %dma_wait3A_298 = tpu.memref_slice %arg20[%dma_wait3A_297] : memref<182272xf32, #tpu.memory_space<vmem_shared>> -> memref<182272xf32, #tpu.memory_space<vmem_shared>>
      tpu.wait_indirect_dma semaphore(%arg27 : memref<!tpu.dma_semaphore, #tpu.memory_space<semaphore_mem>>) src(%arg18 : memref<128xf32, #tpu.memory_space<vmem>>) dst(%dma_wait3A_298 : memref<182272xf32, #tpu.memory_space<vmem_shared>>)
      %dma_wait3A_299 = arith.constant 0 : i32
      %dma_wait3A_300 = arith.constant 0 : i32
      %dma_wait3A_301 = tpu.memref_slice %arg14[%dma_wait3A_299, %dma_wait3A_300] : memref<4x128xi32, #tpu.memory_space<vmem>> -> memref<1x128xi32, #tpu.memory_space<vmem>>
      %dma_wait3A_302 = tpu.memref_squeeze %dma_wait3A_301 : memref<1x128xi32, #tpu.memory_space<vmem>> -> memref<128xi32, #tpu.memory_space<vmem>>
      %dma_wait3A_303 = arith.constant 0 : i32
      %dma_wait3A_304 = tpu.memref_slice %arg20[%dma_wait3A_303] : memref<182272xf32, #tpu.memory_space<vmem_shared>> -> memref<182272xf32, #tpu.memory_space<vmem_shared>>
      tpu.wait_indirect_dma semaphore(%arg27 : memref<!tpu.dma_semaphore, #tpu.memory_space<semaphore_mem>>) src(%arg18 : memref<128xf32, #tpu.memory_space<vmem>>) dst(%dma_wait3A_304 : memref<182272xf32, #tpu.memory_space<vmem_shared>>)
      %mul3A_305 = arith.constant 2 : i32
      %mul3A_306 = arith.muli %mul3A_305, %scan3A_109 : i32
      %add3A_307 = arith.constant 1 : i32
      %add3A_308 = arith.addi %mul3A_306, %add3A_307 : i32
      %dma_wait3A_309 = arith.constant 0 : i32
      %dma_wait3A_310 = arith.constant 0 : i32
      %dma_wait3A_311 = arith.constant 0 : i32
      %dma_wait3A_312 = tpu.memref_slice %arg3[%dma_wait3A_309, %dma_wait3A_310, %dma_wait3A_311] : memref<32x80x128xi32, #tpu.memory_space<hbm>> -> memref<1x4x128xi32, #tpu.memory_space<hbm>>
      %dma_wait3A_313 = tpu.memref_squeeze %dma_wait3A_312 : memref<1x4x128xi32, #tpu.memory_space<hbm>> -> memref<4x128xi32, #tpu.memory_space<hbm>>
      %dma_wait3A_314 = arith.constant 0 : i32
      %dma_wait3A_315 = arith.constant 0 : i32
      %dma_wait3A_316 = tpu.memref_slice %arg3[%dma_wait3A_309, %dma_wait3A_314, %dma_wait3A_315] : memref<32x80x128xi32, #tpu.memory_space<hbm>> -> memref<1x4x128xi32, #tpu.memory_space<hbm>>
      %dma_wait3A_317 = tpu.memref_squeeze %dma_wait3A_316 : memref<1x4x128xi32, #tpu.memory_space<hbm>> -> memref<4x128xi32, #tpu.memory_space<hbm>>
      tpu.wait_dma2 semaphore(%arg22 : memref<!tpu.dma_semaphore, #tpu.memory_space<semaphore_mem>>) src(%dma_wait3A_317 : memref<4x128xi32, #tpu.memory_space<hbm>>) dst(%arg11 : memref<4x128xi32, #tpu.memory_space<vmem>>)
      %dma_wait3A_318 = arith.constant 0 : i32
      %dma_wait3A_319 = arith.constant 0 : i32
      %dma_wait3A_320 = arith.constant 0 : i32
      %dma_wait3A_321 = tpu.memref_slice %arg4[%dma_wait3A_318, %dma_wait3A_319, %dma_wait3A_320] : memref<32x80x128xi32, #tpu.memory_space<hbm>> -> memref<1x4x128xi32, #tpu.memory_space<hbm>>
      %dma_wait3A_322 = tpu.memref_squeeze %dma_wait3A_321 : memref<1x4x128xi32, #tpu.memory_space<hbm>> -> memref<4x128xi32, #tpu.memory_space<hbm>>
      %dma_wait3A_323 = arith.constant 0 : i32
      %dma_wait3A_324 = arith.constant 0 : i32
      %dma_wait3A_325 = tpu.memref_slice %arg4[%dma_wait3A_318, %dma_wait3A_323, %dma_wait3A_324] : memref<32x80x128xi32, #tpu.memory_space<hbm>> -> memref<1x4x128xi32, #tpu.memory_space<hbm>>
      %dma_wait3A_326 = tpu.memref_squeeze %dma_wait3A_325 : memref<1x4x128xi32, #tpu.memory_space<hbm>> -> memref<4x128xi32, #tpu.memory_space<hbm>>
      tpu.wait_dma2 semaphore(%arg22 : memref<!tpu.dma_semaphore, #tpu.memory_space<semaphore_mem>>) src(%dma_wait3A_326 : memref<4x128xi32, #tpu.memory_space<hbm>>) dst(%arg13 : memref<4x128xi32, #tpu.memory_space<vmem>>)
      %dma_wait3A_327 = arith.constant 0 : i32
      %dma_wait3A_328 = arith.constant 0 : i32
      %dma_wait3A_329 = arith.constant 0 : i32
      %dma_wait3A_330 = tpu.memref_slice %arg5[%dma_wait3A_327, %dma_wait3A_328, %dma_wait3A_329] : memref<32x80x128xi32, #tpu.memory_space<hbm>> -> memref<1x4x128xi32, #tpu.memory_space<hbm>>
      %dma_wait3A_331 = tpu.memref_squeeze %dma_wait3A_330 : memref<1x4x128xi32, #tpu.memory_space<hbm>> -> memref<4x128xi32, #tpu.memory_space<hbm>>
      %dma_wait3A_332 = arith.constant 0 : i32
      %dma_wait3A_333 = arith.constant 0 : i32
      %dma_wait3A_334 = tpu.memref_slice %arg5[%dma_wait3A_327, %dma_wait3A_332, %dma_wait3A_333] : memref<32x80x128xi32, #tpu.memory_space<hbm>> -> memref<1x4x128xi32, #tpu.memory_space<hbm>>
      %dma_wait3A_335 = tpu.memref_squeeze %dma_wait3A_334 : memref<1x4x128xi32, #tpu.memory_space<hbm>> -> memref<4x128xi32, #tpu.memory_space<hbm>>
      tpu.wait_dma2 semaphore(%arg22 : memref<!tpu.dma_semaphore, #tpu.memory_space<semaphore_mem>>) src(%dma_wait3A_335 : memref<4x128xi32, #tpu.memory_space<hbm>>) dst(%arg15 : memref<4x128xi32, #tpu.memory_space<vmem>>)
      %add3A_336 = arith.constant 1 : i32
      %add3A_337 = arith.addi %add3A_308, %add3A_336 : i32
      %lt3A_338 = arith.constant 20 : i32
      %lt3A_339 = arith.cmpi slt, %add3A_337, %lt3A_338 : i32
      %convert_element_type3A_340 = arith.extui %lt3A_339 : i1 to i32
      %cond3A_341 = arith.constant 0 : i32
      %cond3A_342 = arith.cmpi ne, %convert_element_type3A_340, %cond3A_341 : i32
      scf.if %cond3A_342 {
        %add3A_503 = arith.constant 1 : i32
        %add3A_504 = arith.addi %add3A_308, %add3A_503 : i32
        %mul3A_505 = arith.constant 4 : i32
        %mul3A_506 = arith.muli %add3A_504, %mul3A_505 : i32
        %dma_start3A_507 = arith.constant 0 : i32
        %dma_start3A_508 = tpu.memref_slice %arg3[%add3A, %mul3A_506, %dma_start3A_507] : memref<32x80x128xi32, #tpu.memory_space<hbm>> -> memref<1x4x128xi32, #tpu.memory_space<hbm>>
        %dma_start3A_509 = tpu.memref_squeeze %dma_start3A_508 : memref<1x4x128xi32, #tpu.memory_space<hbm>> -> memref<4x128xi32, #tpu.memory_space<hbm>>
        %dma_start3A_510 = arith.constant 0 : i32
        %dma_start3A_511 = tpu.memref_slice %arg3[%add3A, %mul3A_506, %dma_start3A_510] : memref<32x80x128xi32, #tpu.memory_space<hbm>> -> memref<1x4x128xi32, #tpu.memory_space<hbm>>
        %dma_start3A_512 = tpu.memref_squeeze %dma_start3A_511 : memref<1x4x128xi32, #tpu.memory_space<hbm>> -> memref<4x128xi32, #tpu.memory_space<hbm>>
        tpu.enqueue_dma source(%dma_start3A_512 : memref<4x128xi32, #tpu.memory_space<hbm>>) target(%arg10 : memref<4x128xi32, #tpu.memory_space<vmem>>) target_semaphore(%arg21 : memref<!tpu.dma_semaphore, #tpu.memory_space<semaphore_mem>>)
        %dma_start3A_513 = arith.constant 0 : i32
        %dma_start3A_514 = tpu.memref_slice %arg4[%add3A, %mul3A_506, %dma_start3A_513] : memref<32x80x128xi32, #tpu.memory_space<hbm>> -> memref<1x4x128xi32, #tpu.memory_space<hbm>>
        %dma_start3A_515 = tpu.memref_squeeze %dma_start3A_514 : memref<1x4x128xi32, #tpu.memory_space<hbm>> -> memref<4x128xi32, #tpu.memory_space<hbm>>
        %dma_start3A_516 = arith.constant 0 : i32
        %dma_start3A_517 = tpu.memref_slice %arg4[%add3A, %mul3A_506, %dma_start3A_516] : memref<32x80x128xi32, #tpu.memory_space<hbm>> -> memref<1x4x128xi32, #tpu.memory_space<hbm>>
        %dma_start3A_518 = tpu.memref_squeeze %dma_start3A_517 : memref<1x4x128xi32, #tpu.memory_space<hbm>> -> memref<4x128xi32, #tpu.memory_space<hbm>>
        tpu.enqueue_dma source(%dma_start3A_518 : memref<4x128xi32, #tpu.memory_space<hbm>>) target(%arg12 : memref<4x128xi32, #tpu.memory_space<vmem>>) target_semaphore(%arg21 : memref<!tpu.dma_semaphore, #tpu.memory_space<semaphore_mem>>)
        %dma_start3A_519 = arith.constant 0 : i32
        %dma_start3A_520 = tpu.memref_slice %arg5[%add3A, %mul3A_506, %dma_start3A_519] : memref<32x80x128xi32, #tpu.memory_space<hbm>> -> memref<1x4x128xi32, #tpu.memory_space<hbm>>
        %dma_start3A_521 = tpu.memref_squeeze %dma_start3A_520 : memref<1x4x128xi32, #tpu.memory_space<hbm>> -> memref<4x128xi32, #tpu.memory_space<hbm>>
        %dma_start3A_522 = arith.constant 0 : i32
        %dma_start3A_523 = tpu.memref_slice %arg5[%add3A, %mul3A_506, %dma_start3A_522] : memref<32x80x128xi32, #tpu.memory_space<hbm>> -> memref<1x4x128xi32, #tpu.memory_space<hbm>>
        %dma_start3A_524 = tpu.memref_squeeze %dma_start3A_523 : memref<1x4x128xi32, #tpu.memory_space<hbm>> -> memref<4x128xi32, #tpu.memory_space<hbm>>
        tpu.enqueue_dma source(%dma_start3A_524 : memref<4x128xi32, #tpu.memory_space<hbm>>) target(%arg14 : memref<4x128xi32, #tpu.memory_space<vmem>>) target_semaphore(%arg21 : memref<!tpu.dma_semaphore, #tpu.memory_space<semaphore_mem>>)
      } else {
      }
      %dma_start3A_343 = arith.constant 0 : i32
      %dma_start3A_344 = arith.constant 0 : i32
      %dma_start3A_345 = tpu.memref_slice %arg11[%dma_start3A_343, %dma_start3A_344] : memref<4x128xi32, #tpu.memory_space<vmem>> -> memref<1x128xi32, #tpu.memory_space<vmem>>
      %dma_start3A_346 = tpu.memref_squeeze %dma_start3A_345 : memref<1x128xi32, #tpu.memory_space<vmem>> -> memref<128xi32, #tpu.memory_space<vmem>>
      %dma_start3A_347 = arith.constant 0 : i32
      %dma_start3A_348 = arith.constant 0 : i32
      %dma_start3A_349 = tpu.memref_slice %arg2[%dma_start3A_347, %dma_start3A_348] : memref<10000x128xf32, #tpu.memory_space<hbm>> -> memref<10000x128xf32, #tpu.memory_space<hbm>>
      tpu.enqueue_indirect_dma source(%dma_start3A_349 : memref<10000x128xf32, #tpu.memory_space<hbm>>) target(%arg16 : memref<128x128xf32, #tpu.memory_space<vmem>>) offsets(%dma_start3A_346 : memref<128xi32, #tpu.memory_space<vmem>>) semaphore(%arg23 : memref<!tpu.dma_semaphore, #tpu.memory_space<semaphore_mem>>)
      %dma_start3A_350 = arith.constant 1 : i32
      %dma_start3A_351 = arith.constant 0 : i32
      %dma_start3A_352 = tpu.memref_slice %arg11[%dma_start3A_350, %dma_start3A_351] : memref<4x128xi32, #tpu.memory_space<vmem>> -> memref<1x128xi32, #tpu.memory_space<vmem>>
      %dma_start3A_353 = tpu.memref_squeeze %dma_start3A_352 : memref<1x128xi32, #tpu.memory_space<vmem>> -> memref<128xi32, #tpu.memory_space<vmem>>
      %dma_start3A_354 = arith.constant 0 : i32
      %dma_start3A_355 = arith.constant 0 : i32
      %dma_start3A_356 = tpu.memref_slice %arg2[%dma_start3A_354, %dma_start3A_355] : memref<10000x128xf32, #tpu.memory_space<hbm>> -> memref<10000x128xf32, #tpu.memory_space<hbm>>
      tpu.enqueue_indirect_dma source(%dma_start3A_356 : memref<10000x128xf32, #tpu.memory_space<hbm>>) target(%arg17 : memref<128x128xf32, #tpu.memory_space<vmem>>) offsets(%dma_start3A_353 : memref<128xi32, #tpu.memory_space<vmem>>) semaphore(%arg24 : memref<!tpu.dma_semaphore, #tpu.memory_space<semaphore_mem>>)
      %dma_wait3A_357 = arith.constant 0 : i32
      %dma_wait3A_358 = arith.constant 0 : i32
      %dma_wait3A_359 = tpu.memref_slice %arg11[%dma_wait3A_357, %dma_wait3A_358] : memref<4x128xi32, #tpu.memory_space<vmem>> -> memref<1x128xi32, #tpu.memory_space<vmem>>
      %dma_wait3A_360 = tpu.memref_squeeze %dma_wait3A_359 : memref<1x128xi32, #tpu.memory_space<vmem>> -> memref<128xi32, #tpu.memory_space<vmem>>
      %dma_wait3A_361 = arith.constant 0 : i32
      %dma_wait3A_362 = arith.constant 0 : i32
      %dma_wait3A_363 = tpu.memref_slice %arg2[%dma_wait3A_361, %dma_wait3A_362] : memref<10000x128xf32, #tpu.memory_space<hbm>> -> memref<10000x128xf32, #tpu.memory_space<hbm>>
      tpu.wait_indirect_dma semaphore(%arg23 : memref<!tpu.dma_semaphore, #tpu.memory_space<semaphore_mem>>) src(%dma_wait3A_363 : memref<10000x128xf32, #tpu.memory_space<hbm>>) dst(%arg16 : memref<128x128xf32, #tpu.memory_space<vmem>>)
      %dma_start3A_364 = arith.constant 0 : i32
      %dma_start3A_365 = arith.constant 0 : i32
      %dma_start3A_366 = tpu.memref_slice %arg13[%dma_start3A_364, %dma_start3A_365] : memref<4x128xi32, #tpu.memory_space<vmem>> -> memref<1x128xi32, #tpu.memory_space<vmem>>
      %dma_start3A_367 = tpu.memref_squeeze %dma_start3A_366 : memref<1x128xi32, #tpu.memory_space<vmem>> -> memref<128xi32, #tpu.memory_space<vmem>>
      %dma_start3A_368 = arith.constant 0 : i32
      %dma_start3A_369 = arith.constant 0 : i32
      %dma_start3A_370 = tpu.memref_slice %arg19[%dma_start3A_368, %dma_start3A_369] : memref<10112x128xf32, #tpu.memory_space<vmem_shared>> -> memref<10112x128xf32, #tpu.memory_space<vmem_shared>>
      tpu.enqueue_indirect_dma source(%arg16 : memref<128x128xf32, #tpu.memory_space<vmem>>) target(%dma_start3A_370 : memref<10112x128xf32, #tpu.memory_space<vmem_shared>>) offsets(%dma_start3A_367 : memref<128xi32, #tpu.memory_space<vmem>>) semaphore(%arg25 : memref<!tpu.dma_semaphore, #tpu.memory_space<semaphore_mem>>) {add = true}
      %dma_start3A_371 = arith.constant 0 : i32
      %dma_start3A_372 = arith.constant 0 : i32
      %dma_start3A_373 = tpu.memref_slice %arg15[%dma_start3A_371, %dma_start3A_372] : memref<4x128xi32, #tpu.memory_space<vmem>> -> memref<1x128xi32, #tpu.memory_space<vmem>>
      %dma_start3A_374 = tpu.memref_squeeze %dma_start3A_373 : memref<1x128xi32, #tpu.memory_space<vmem>> -> memref<128xi32, #tpu.memory_space<vmem>>
      %dma_start3A_375 = arith.constant 0 : i32
      %dma_start3A_376 = tpu.memref_slice %arg20[%dma_start3A_375] : memref<182272xf32, #tpu.memory_space<vmem_shared>> -> memref<182272xf32, #tpu.memory_space<vmem_shared>>
      tpu.enqueue_indirect_dma source(%arg18 : memref<128xf32, #tpu.memory_space<vmem>>) target(%dma_start3A_376 : memref<182272xf32, #tpu.memory_space<vmem_shared>>) offsets(%dma_start3A_374 : memref<128xi32, #tpu.memory_space<vmem>>) semaphore(%arg27 : memref<!tpu.dma_semaphore, #tpu.memory_space<semaphore_mem>>) {add = true}
      %dma_wait3A_377 = arith.constant 1 : i32
      %dma_wait3A_378 = arith.constant 0 : i32
      %dma_wait3A_379 = tpu.memref_slice %arg11[%dma_wait3A_377, %dma_wait3A_378] : memref<4x128xi32, #tpu.memory_space<vmem>> -> memref<1x128xi32, #tpu.memory_space<vmem>>
      %dma_wait3A_380 = tpu.memref_squeeze %dma_wait3A_379 : memref<1x128xi32, #tpu.memory_space<vmem>> -> memref<128xi32, #tpu.memory_space<vmem>>
      %dma_wait3A_381 = arith.constant 0 : i32
      %dma_wait3A_382 = arith.constant 0 : i32
      %dma_wait3A_383 = tpu.memref_slice %arg2[%dma_wait3A_381, %dma_wait3A_382] : memref<10000x128xf32, #tpu.memory_space<hbm>> -> memref<10000x128xf32, #tpu.memory_space<hbm>>
      tpu.wait_indirect_dma semaphore(%arg24 : memref<!tpu.dma_semaphore, #tpu.memory_space<semaphore_mem>>) src(%dma_wait3A_383 : memref<10000x128xf32, #tpu.memory_space<hbm>>) dst(%arg17 : memref<128x128xf32, #tpu.memory_space<vmem>>)
      %dma_start3A_384 = arith.constant 1 : i32
      %dma_start3A_385 = arith.constant 0 : i32
      %dma_start3A_386 = tpu.memref_slice %arg13[%dma_start3A_384, %dma_start3A_385] : memref<4x128xi32, #tpu.memory_space<vmem>> -> memref<1x128xi32, #tpu.memory_space<vmem>>
      %dma_start3A_387 = tpu.memref_squeeze %dma_start3A_386 : memref<1x128xi32, #tpu.memory_space<vmem>> -> memref<128xi32, #tpu.memory_space<vmem>>
      %dma_start3A_388 = arith.constant 0 : i32
      %dma_start3A_389 = arith.constant 0 : i32
      %dma_start3A_390 = tpu.memref_slice %arg19[%dma_start3A_388, %dma_start3A_389] : memref<10112x128xf32, #tpu.memory_space<vmem_shared>> -> memref<10112x128xf32, #tpu.memory_space<vmem_shared>>
      tpu.enqueue_indirect_dma source(%arg17 : memref<128x128xf32, #tpu.memory_space<vmem>>) target(%dma_start3A_390 : memref<10112x128xf32, #tpu.memory_space<vmem_shared>>) offsets(%dma_start3A_387 : memref<128xi32, #tpu.memory_space<vmem>>) semaphore(%arg26 : memref<!tpu.dma_semaphore, #tpu.memory_space<semaphore_mem>>) {add = true}
      %dma_start3A_391 = arith.constant 1 : i32
      %dma_start3A_392 = arith.constant 0 : i32
      %dma_start3A_393 = tpu.memref_slice %arg15[%dma_start3A_391, %dma_start3A_392] : memref<4x128xi32, #tpu.memory_space<vmem>> -> memref<1x128xi32, #tpu.memory_space<vmem>>
      %dma_start3A_394 = tpu.memref_squeeze %dma_start3A_393 : memref<1x128xi32, #tpu.memory_space<vmem>> -> memref<128xi32, #tpu.memory_space<vmem>>
      %dma_start3A_395 = arith.constant 0 : i32
      %dma_start3A_396 = tpu.memref_slice %arg20[%dma_start3A_395] : memref<182272xf32, #tpu.memory_space<vmem_shared>> -> memref<182272xf32, #tpu.memory_space<vmem_shared>>
      tpu.enqueue_indirect_dma source(%arg18 : memref<128xf32, #tpu.memory_space<vmem>>) target(%dma_start3A_396 : memref<182272xf32, #tpu.memory_space<vmem_shared>>) offsets(%dma_start3A_394 : memref<128xi32, #tpu.memory_space<vmem>>) semaphore(%arg27 : memref<!tpu.dma_semaphore, #tpu.memory_space<semaphore_mem>>) {add = true}
      %dma_wait3A_397 = arith.constant 0 : i32
      %dma_wait3A_398 = arith.constant 0 : i32
      %dma_wait3A_399 = tpu.memref_slice %arg13[%dma_wait3A_397, %dma_wait3A_398] : memref<4x128xi32, #tpu.memory_space<vmem>> -> memref<1x128xi32, #tpu.memory_space<vmem>>
      %dma_wait3A_400 = tpu.memref_squeeze %dma_wait3A_399 : memref<1x128xi32, #tpu.memory_space<vmem>> -> memref<128xi32, #tpu.memory_space<vmem>>
      %dma_wait3A_401 = arith.constant 0 : i32
      %dma_wait3A_402 = arith.constant 0 : i32
      %dma_wait3A_403 = tpu.memref_slice %arg19[%dma_wait3A_401, %dma_wait3A_402] : memref<10112x128xf32, #tpu.memory_space<vmem_shared>> -> memref<10112x128xf32, #tpu.memory_space<vmem_shared>>
      tpu.wait_indirect_dma semaphore(%arg25 : memref<!tpu.dma_semaphore, #tpu.memory_space<semaphore_mem>>) src(%arg16 : memref<128x128xf32, #tpu.memory_space<vmem>>) dst(%dma_wait3A_403 : memref<10112x128xf32, #tpu.memory_space<vmem_shared>>)
      %dma_start3A_404 = arith.constant 2 : i32
      %dma_start3A_405 = arith.constant 0 : i32
      %dma_start3A_406 = tpu.memref_slice %arg11[%dma_start3A_404, %dma_start3A_405] : memref<4x128xi32, #tpu.memory_space<vmem>> -> memref<1x128xi32, #tpu.memory_space<vmem>>
      %dma_start3A_407 = tpu.memref_squeeze %dma_start3A_406 : memref<1x128xi32, #tpu.memory_space<vmem>> -> memref<128xi32, #tpu.memory_space<vmem>>
      %dma_start3A_408 = arith.constant 0 : i32
      %dma_start3A_409 = arith.constant 0 : i32
      %dma_start3A_410 = tpu.memref_slice %arg2[%dma_start3A_408, %dma_start3A_409] : memref<10000x128xf32, #tpu.memory_space<hbm>> -> memref<10000x128xf32, #tpu.memory_space<hbm>>
      tpu.enqueue_indirect_dma source(%dma_start3A_410 : memref<10000x128xf32, #tpu.memory_space<hbm>>) target(%arg16 : memref<128x128xf32, #tpu.memory_space<vmem>>) offsets(%dma_start3A_407 : memref<128xi32, #tpu.memory_space<vmem>>) semaphore(%arg23 : memref<!tpu.dma_semaphore, #tpu.memory_space<semaphore_mem>>)
      %dma_wait3A_411 = arith.constant 1 : i32
      %dma_wait3A_412 = arith.constant 0 : i32
      %dma_wait3A_413 = tpu.memref_slice %arg13[%dma_wait3A_411, %dma_wait3A_412] : memref<4x128xi32, #tpu.memory_space<vmem>> -> memref<1x128xi32, #tpu.memory_space<vmem>>
      %dma_wait3A_414 = tpu.memref_squeeze %dma_wait3A_413 : memref<1x128xi32, #tpu.memory_space<vmem>> -> memref<128xi32, #tpu.memory_space<vmem>>
      %dma_wait3A_415 = arith.constant 0 : i32
      %dma_wait3A_416 = arith.constant 0 : i32
      %dma_wait3A_417 = tpu.memref_slice %arg19[%dma_wait3A_415, %dma_wait3A_416] : memref<10112x128xf32, #tpu.memory_space<vmem_shared>> -> memref<10112x128xf32, #tpu.memory_space<vmem_shared>>
      tpu.wait_indirect_dma semaphore(%arg26 : memref<!tpu.dma_semaphore, #tpu.memory_space<semaphore_mem>>) src(%arg17 : memref<128x128xf32, #tpu.memory_space<vmem>>) dst(%dma_wait3A_417 : memref<10112x128xf32, #tpu.memory_space<vmem_shared>>)
      %dma_start3A_418 = arith.constant 3 : i32
      %dma_start3A_419 = arith.constant 0 : i32
      %dma_start3A_420 = tpu.memref_slice %arg11[%dma_start3A_418, %dma_start3A_419] : memref<4x128xi32, #tpu.memory_space<vmem>> -> memref<1x128xi32, #tpu.memory_space<vmem>>
      %dma_start3A_421 = tpu.memref_squeeze %dma_start3A_420 : memref<1x128xi32, #tpu.memory_space<vmem>> -> memref<128xi32, #tpu.memory_space<vmem>>
      %dma_start3A_422 = arith.constant 0 : i32
      %dma_start3A_423 = arith.constant 0 : i32
      %dma_start3A_424 = tpu.memref_slice %arg2[%dma_start3A_422, %dma_start3A_423] : memref<10000x128xf32, #tpu.memory_space<hbm>> -> memref<10000x128xf32, #tpu.memory_space<hbm>>
      tpu.enqueue_indirect_dma source(%dma_start3A_424 : memref<10000x128xf32, #tpu.memory_space<hbm>>) target(%arg17 : memref<128x128xf32, #tpu.memory_space<vmem>>) offsets(%dma_start3A_421 : memref<128xi32, #tpu.memory_space<vmem>>) semaphore(%arg24 : memref<!tpu.dma_semaphore, #tpu.memory_space<semaphore_mem>>)
      %dma_wait3A_425 = arith.constant 2 : i32
      %dma_wait3A_426 = arith.constant 0 : i32
      %dma_wait3A_427 = tpu.memref_slice %arg11[%dma_wait3A_425, %dma_wait3A_426] : memref<4x128xi32, #tpu.memory_space<vmem>> -> memref<1x128xi32, #tpu.memory_space<vmem>>
      %dma_wait3A_428 = tpu.memref_squeeze %dma_wait3A_427 : memref<1x128xi32, #tpu.memory_space<vmem>> -> memref<128xi32, #tpu.memory_space<vmem>>
      %dma_wait3A_429 = arith.constant 0 : i32
      %dma_wait3A_430 = arith.constant 0 : i32
      %dma_wait3A_431 = tpu.memref_slice %arg2[%dma_wait3A_429, %dma_wait3A_430] : memref<10000x128xf32, #tpu.memory_space<hbm>> -> memref<10000x128xf32, #tpu.memory_space<hbm>>
      tpu.wait_indirect_dma semaphore(%arg23 : memref<!tpu.dma_semaphore, #tpu.memory_space<semaphore_mem>>) src(%dma_wait3A_431 : memref<10000x128xf32, #tpu.memory_space<hbm>>) dst(%arg16 : memref<128x128xf32, #tpu.memory_space<vmem>>)
      %dma_start3A_432 = arith.constant 2 : i32
      %dma_start3A_433 = arith.constant 0 : i32
      %dma_start3A_434 = tpu.memref_slice %arg13[%dma_start3A_432, %dma_start3A_433] : memref<4x128xi32, #tpu.memory_space<vmem>> -> memref<1x128xi32, #tpu.memory_space<vmem>>
      %dma_start3A_435 = tpu.memref_squeeze %dma_start3A_434 : memref<1x128xi32, #tpu.memory_space<vmem>> -> memref<128xi32, #tpu.memory_space<vmem>>
      %dma_start3A_436 = arith.constant 0 : i32
      %dma_start3A_437 = arith.constant 0 : i32
      %dma_start3A_438 = tpu.memref_slice %arg19[%dma_start3A_436, %dma_start3A_437] : memref<10112x128xf32, #tpu.memory_space<vmem_shared>> -> memref<10112x128xf32, #tpu.memory_space<vmem_shared>>
      tpu.enqueue_indirect_dma source(%arg16 : memref<128x128xf32, #tpu.memory_space<vmem>>) target(%dma_start3A_438 : memref<10112x128xf32, #tpu.memory_space<vmem_shared>>) offsets(%dma_start3A_435 : memref<128xi32, #tpu.memory_space<vmem>>) semaphore(%arg25 : memref<!tpu.dma_semaphore, #tpu.memory_space<semaphore_mem>>) {add = true}
      %dma_start3A_439 = arith.constant 2 : i32
      %dma_start3A_440 = arith.constant 0 : i32
      %dma_start3A_441 = tpu.memref_slice %arg15[%dma_start3A_439, %dma_start3A_440] : memref<4x128xi32, #tpu.memory_space<vmem>> -> memref<1x128xi32, #tpu.memory_space<vmem>>
      %dma_start3A_442 = tpu.memref_squeeze %dma_start3A_441 : memref<1x128xi32, #tpu.memory_space<vmem>> -> memref<128xi32, #tpu.memory_space<vmem>>
      %dma_start3A_443 = arith.constant 0 : i32
      %dma_start3A_444 = tpu.memref_slice %arg20[%dma_start3A_443] : memref<182272xf32, #tpu.memory_space<vmem_shared>> -> memref<182272xf32, #tpu.memory_space<vmem_shared>>
      tpu.enqueue_indirect_dma source(%arg18 : memref<128xf32, #tpu.memory_space<vmem>>) target(%dma_start3A_444 : memref<182272xf32, #tpu.memory_space<vmem_shared>>) offsets(%dma_start3A_442 : memref<128xi32, #tpu.memory_space<vmem>>) semaphore(%arg27 : memref<!tpu.dma_semaphore, #tpu.memory_space<semaphore_mem>>) {add = true}
      %dma_wait3A_445 = arith.constant 3 : i32
      %dma_wait3A_446 = arith.constant 0 : i32
      %dma_wait3A_447 = tpu.memref_slice %arg11[%dma_wait3A_445, %dma_wait3A_446] : memref<4x128xi32, #tpu.memory_space<vmem>> -> memref<1x128xi32, #tpu.memory_space<vmem>>
      %dma_wait3A_448 = tpu.memref_squeeze %dma_wait3A_447 : memref<1x128xi32, #tpu.memory_space<vmem>> -> memref<128xi32, #tpu.memory_space<vmem>>
      %dma_wait3A_449 = arith.constant 0 : i32
      %dma_wait3A_450 = arith.constant 0 : i32
      %dma_wait3A_451 = tpu.memref_slice %arg2[%dma_wait3A_449, %dma_wait3A_450] : memref<10000x128xf32, #tpu.memory_space<hbm>> -> memref<10000x128xf32, #tpu.memory_space<hbm>>
      tpu.wait_indirect_dma semaphore(%arg24 : memref<!tpu.dma_semaphore, #tpu.memory_space<semaphore_mem>>) src(%dma_wait3A_451 : memref<10000x128xf32, #tpu.memory_space<hbm>>) dst(%arg17 : memref<128x128xf32, #tpu.memory_space<vmem>>)
      %dma_start3A_452 = arith.constant 3 : i32
      %dma_start3A_453 = arith.constant 0 : i32
      %dma_start3A_454 = tpu.memref_slice %arg13[%dma_start3A_452, %dma_start3A_453] : memref<4x128xi32, #tpu.memory_space<vmem>> -> memref<1x128xi32, #tpu.memory_space<vmem>>
      %dma_start3A_455 = tpu.memref_squeeze %dma_start3A_454 : memref<1x128xi32, #tpu.memory_space<vmem>> -> memref<128xi32, #tpu.memory_space<vmem>>
      %dma_start3A_456 = arith.constant 0 : i32
      %dma_start3A_457 = arith.constant 0 : i32
      %dma_start3A_458 = tpu.memref_slice %arg19[%dma_start3A_456, %dma_start3A_457] : memref<10112x128xf32, #tpu.memory_space<vmem_shared>> -> memref<10112x128xf32, #tpu.memory_space<vmem_shared>>
      tpu.enqueue_indirect_dma source(%arg17 : memref<128x128xf32, #tpu.memory_space<vmem>>) target(%dma_start3A_458 : memref<10112x128xf32, #tpu.memory_space<vmem_shared>>) offsets(%dma_start3A_455 : memref<128xi32, #tpu.memory_space<vmem>>) semaphore(%arg26 : memref<!tpu.dma_semaphore, #tpu.memory_space<semaphore_mem>>) {add = true}
      %dma_start3A_459 = arith.constant 3 : i32
      %dma_start3A_460 = arith.constant 0 : i32
      %dma_start3A_461 = tpu.memref_slice %arg15[%dma_start3A_459, %dma_start3A_460] : memref<4x128xi32, #tpu.memory_space<vmem>> -> memref<1x128xi32, #tpu.memory_space<vmem>>
      %dma_start3A_462 = tpu.memref_squeeze %dma_start3A_461 : memref<1x128xi32, #tpu.memory_space<vmem>> -> memref<128xi32, #tpu.memory_space<vmem>>
      %dma_start3A_463 = arith.constant 0 : i32
      %dma_start3A_464 = tpu.memref_slice %arg20[%dma_start3A_463] : memref<182272xf32, #tpu.memory_space<vmem_shared>> -> memref<182272xf32, #tpu.memory_space<vmem_shared>>
      tpu.enqueue_indirect_dma source(%arg18 : memref<128xf32, #tpu.memory_space<vmem>>) target(%dma_start3A_464 : memref<182272xf32, #tpu.memory_space<vmem_shared>>) offsets(%dma_start3A_462 : memref<128xi32, #tpu.memory_space<vmem>>) semaphore(%arg27 : memref<!tpu.dma_semaphore, #tpu.memory_space<semaphore_mem>>) {add = true}
      %dma_wait3A_465 = arith.constant 2 : i32
      %dma_wait3A_466 = arith.constant 0 : i32
      %dma_wait3A_467 = tpu.memref_slice %arg13[%dma_wait3A_465, %dma_wait3A_466] : memref<4x128xi32, #tpu.memory_space<vmem>> -> memref<1x128xi32, #tpu.memory_space<vmem>>
      %dma_wait3A_468 = tpu.memref_squeeze %dma_wait3A_467 : memref<1x128xi32, #tpu.memory_space<vmem>> -> memref<128xi32, #tpu.memory_space<vmem>>
      %dma_wait3A_469 = arith.constant 0 : i32
      %dma_wait3A_470 = arith.constant 0 : i32
      %dma_wait3A_471 = tpu.memref_slice %arg19[%dma_wait3A_469, %dma_wait3A_470] : memref<10112x128xf32, #tpu.memory_space<vmem_shared>> -> memref<10112x128xf32, #tpu.memory_space<vmem_shared>>
      tpu.wait_indirect_dma semaphore(%arg25 : memref<!tpu.dma_semaphore, #tpu.memory_space<semaphore_mem>>) src(%arg16 : memref<128x128xf32, #tpu.memory_space<vmem>>) dst(%dma_wait3A_471 : memref<10112x128xf32, #tpu.memory_space<vmem_shared>>)
      %dma_wait3A_472 = arith.constant 3 : i32
      %dma_wait3A_473 = arith.constant 0 : i32
      %dma_wait3A_474 = tpu.memref_slice %arg13[%dma_wait3A_472, %dma_wait3A_473] : memref<4x128xi32, #tpu.memory_space<vmem>> -> memref<1x128xi32, #tpu.memory_space<vmem>>
      %dma_wait3A_475 = tpu.memref_squeeze %dma_wait3A_474 : memref<1x128xi32, #tpu.memory_space<vmem>> -> memref<128xi32, #tpu.memory_space<vmem>>
      %dma_wait3A_476 = arith.constant 0 : i32
      %dma_wait3A_477 = arith.constant 0 : i32
      %dma_wait3A_478 = tpu.memref_slice %arg19[%dma_wait3A_476, %dma_wait3A_477] : memref<10112x128xf32, #tpu.memory_space<vmem_shared>> -> memref<10112x128xf32, #tpu.memory_space<vmem_shared>>
      tpu.wait_indirect_dma semaphore(%arg26 : memref<!tpu.dma_semaphore, #tpu.memory_space<semaphore_mem>>) src(%arg17 : memref<128x128xf32, #tpu.memory_space<vmem>>) dst(%dma_wait3A_478 : memref<10112x128xf32, #tpu.memory_space<vmem_shared>>)
      %dma_wait3A_479 = arith.constant 0 : i32
      %dma_wait3A_480 = arith.constant 0 : i32
      %dma_wait3A_481 = tpu.memref_slice %arg15[%dma_wait3A_479, %dma_wait3A_480] : memref<4x128xi32, #tpu.memory_space<vmem>> -> memref<1x128xi32, #tpu.memory_space<vmem>>
      %dma_wait3A_482 = tpu.memref_squeeze %dma_wait3A_481 : memref<1x128xi32, #tpu.memory_space<vmem>> -> memref<128xi32, #tpu.memory_space<vmem>>
      %dma_wait3A_483 = arith.constant 0 : i32
      %dma_wait3A_484 = tpu.memref_slice %arg20[%dma_wait3A_483] : memref<182272xf32, #tpu.memory_space<vmem_shared>> -> memref<182272xf32, #tpu.memory_space<vmem_shared>>
      tpu.wait_indirect_dma semaphore(%arg27 : memref<!tpu.dma_semaphore, #tpu.memory_space<semaphore_mem>>) src(%arg18 : memref<128xf32, #tpu.memory_space<vmem>>) dst(%dma_wait3A_484 : memref<182272xf32, #tpu.memory_space<vmem_shared>>)
      %dma_wait3A_485 = arith.constant 0 : i32
      %dma_wait3A_486 = arith.constant 0 : i32
      %dma_wait3A_487 = tpu.memref_slice %arg15[%dma_wait3A_485, %dma_wait3A_486] : memref<4x128xi32, #tpu.memory_space<vmem>> -> memref<1x128xi32, #tpu.memory_space<vmem>>
      %dma_wait3A_488 = tpu.memref_squeeze %dma_wait3A_487 : memref<1x128xi32, #tpu.memory_space<vmem>> -> memref<128xi32, #tpu.memory_space<vmem>>
      %dma_wait3A_489 = arith.constant 0 : i32
      %dma_wait3A_490 = tpu.memref_slice %arg20[%dma_wait3A_489] : memref<182272xf32, #tpu.memory_space<vmem_shared>> -> memref<182272xf32, #tpu.memory_space<vmem_shared>>
      tpu.wait_indirect_dma semaphore(%arg27 : memref<!tpu.dma_semaphore, #tpu.memory_space<semaphore_mem>>) src(%arg18 : memref<128xf32, #tpu.memory_space<vmem>>) dst(%dma_wait3A_490 : memref<182272xf32, #tpu.memory_space<vmem_shared>>)
      %dma_wait3A_491 = arith.constant 0 : i32
      %dma_wait3A_492 = arith.constant 0 : i32
      %dma_wait3A_493 = tpu.memref_slice %arg15[%dma_wait3A_491, %dma_wait3A_492] : memref<4x128xi32, #tpu.memory_space<vmem>> -> memref<1x128xi32, #tpu.memory_space<vmem>>
      %dma_wait3A_494 = tpu.memref_squeeze %dma_wait3A_493 : memref<1x128xi32, #tpu.memory_space<vmem>> -> memref<128xi32, #tpu.memory_space<vmem>>
      %dma_wait3A_495 = arith.constant 0 : i32
      %dma_wait3A_496 = tpu.memref_slice %arg20[%dma_wait3A_495] : memref<182272xf32, #tpu.memory_space<vmem_shared>> -> memref<182272xf32, #tpu.memory_space<vmem_shared>>
      tpu.wait_indirect_dma semaphore(%arg27 : memref<!tpu.dma_semaphore, #tpu.memory_space<semaphore_mem>>) src(%arg18 : memref<128xf32, #tpu.memory_space<vmem>>) dst(%dma_wait3A_496 : memref<182272xf32, #tpu.memory_space<vmem_shared>>)
      %dma_wait3A_497 = arith.constant 0 : i32
      %dma_wait3A_498 = arith.constant 0 : i32
      %dma_wait3A_499 = tpu.memref_slice %arg15[%dma_wait3A_497, %dma_wait3A_498] : memref<4x128xi32, #tpu.memory_space<vmem>> -> memref<1x128xi32, #tpu.memory_space<vmem>>
      %dma_wait3A_500 = tpu.memref_squeeze %dma_wait3A_499 : memref<1x128xi32, #tpu.memory_space<vmem>> -> memref<128xi32, #tpu.memory_space<vmem>>
      %dma_wait3A_501 = arith.constant 0 : i32
      %dma_wait3A_502 = tpu.memref_slice %arg20[%dma_wait3A_501] : memref<182272xf32, #tpu.memory_space<vmem_shared>> -> memref<182272xf32, #tpu.memory_space<vmem_shared>>
      tpu.wait_indirect_dma semaphore(%arg27 : memref<!tpu.dma_semaphore, #tpu.memory_space<semaphore_mem>>) src(%arg18 : memref<128xf32, #tpu.memory_space<vmem>>) dst(%dma_wait3A_502 : memref<182272xf32, #tpu.memory_space<vmem_shared>>)
    }
    %scan3A_83 = arith.constant 10 : i32
    %barrier3A_84 = arith.constant 0 : index
    tpu.barrier barrier_id(%barrier3A_84)
    %mul3A_85 = arith.constant 632 : i32
    %mul3A_86 = arith.muli %arg1, %mul3A_85 : i32
    %mul3A_87 = arith.constant 632 : i32
    %mul3A_88 = arith.muli %arg1, %mul3A_87 : i32
    %dma_start3A_89 = arith.constant 0 : i32
    %dma_start3A_90 = tpu.memref_slice %arg8[%arg0, %mul3A_88, %dma_start3A_89] : memref<2x10112x128xf32, #tpu.memory_space<hbm>> -> memref<1x632x128xf32, #tpu.memory_space<hbm>>
    %dma_start3A_91 = tpu.memref_squeeze %dma_start3A_90 : memref<1x632x128xf32, #tpu.memory_space<hbm>> -> memref<632x128xf32, #tpu.memory_space<hbm>>
    %dma_start3A_92 = arith.constant 0 : i32
    %dma_start3A_93 = tpu.memref_slice %arg19[%mul3A_86, %dma_start3A_92] : memref<10112x128xf32, #tpu.memory_space<vmem_shared>> -> memref<632x128xf32, #tpu.memory_space<vmem_shared>>
    tpu.enqueue_dma source(%dma_start3A_93 : memref<632x128xf32, #tpu.memory_space<vmem_shared>>) target(%dma_start3A_91 : memref<632x128xf32, #tpu.memory_space<hbm>>) target_semaphore(%arg27 : memref<!tpu.dma_semaphore, #tpu.memory_space<semaphore_mem>>)
    %mul3A_94 = arith.constant 11392 : i32
    %mul3A_95 = arith.muli %arg1, %mul3A_94 : i32
    %mul3A_96 = arith.constant 11392 : i32
    %mul3A_97 = arith.muli %arg1, %mul3A_96 : i32
    %dma_start3A_98 = tpu.memref_slice %arg9[%arg0, %mul3A_97] : memref<2x182272xf32, #tpu.memory_space<hbm>> -> memref<1x11392xf32, #tpu.memory_space<hbm>>
    %dma_start3A_99 = tpu.memref_squeeze %dma_start3A_98 : memref<1x11392xf32, #tpu.memory_space<hbm>> -> memref<11392xf32, #tpu.memory_space<hbm>>
    %dma_start3A_100 = tpu.memref_slice %arg20[%mul3A_95] : memref<182272xf32, #tpu.memory_space<vmem_shared>> -> memref<11392xf32, #tpu.memory_space<vmem_shared>>
    tpu.enqueue_dma source(%dma_start3A_100 : memref<11392xf32, #tpu.memory_space<vmem_shared>>) target(%dma_start3A_99 : memref<11392xf32, #tpu.memory_space<hbm>>) target_semaphore(%arg27 : memref<!tpu.dma_semaphore, #tpu.memory_space<semaphore_mem>>)
    %dma_wait3A_101 = arith.constant 0 : i32
    %dma_wait3A_102 = tpu.memref_slice %arg8[%arg0, %mul3A_88, %dma_wait3A_101] : memref<2x10112x128xf32, #tpu.memory_space<hbm>> -> memref<1x632x128xf32, #tpu.memory_space<hbm>>
    %dma_wait3A_103 = tpu.memref_squeeze %dma_wait3A_102 : memref<1x632x128xf32, #tpu.memory_space<hbm>> -> memref<632x128xf32, #tpu.memory_space<hbm>>
    %dma_wait3A_104 = arith.constant 0 : i32
    %dma_wait3A_105 = tpu.memref_slice %arg19[%mul3A_86, %dma_wait3A_104] : memref<10112x128xf32, #tpu.memory_space<vmem_shared>> -> memref<632x128xf32, #tpu.memory_space<vmem_shared>>
    tpu.wait_dma2 semaphore(%arg27 : memref<!tpu.dma_semaphore, #tpu.memory_space<semaphore_mem>>) src(%dma_wait3A_105 : memref<632x128xf32, #tpu.memory_space<vmem_shared>>) dst(%dma_wait3A_103 : memref<632x128xf32, #tpu.memory_space<hbm>>)
    %dma_wait3A_106 = tpu.memref_slice %arg9[%arg0, %mul3A_97] : memref<2x182272xf32, #tpu.memory_space<hbm>> -> memref<1x11392xf32, #tpu.memory_space<hbm>>
    %dma_wait3A_107 = tpu.memref_squeeze %dma_wait3A_106 : memref<1x11392xf32, #tpu.memory_space<hbm>> -> memref<11392xf32, #tpu.memory_space<hbm>>
    %dma_wait3A_108 = tpu.memref_slice %arg20[%mul3A_95] : memref<182272xf32, #tpu.memory_space<vmem_shared>> -> memref<11392xf32, #tpu.memory_space<vmem_shared>>
    tpu.wait_dma2 semaphore(%arg27 : memref<!tpu.dma_semaphore, #tpu.memory_space<semaphore_mem>>) src(%dma_wait3A_108 : memref<11392xf32, #tpu.memory_space<vmem_shared>>) dst(%dma_wait3A_107 : memref<11392xf32, #tpu.memory_space<hbm>>)
    return
  }
}

module attributes {stable_mosaic.version = 14 : i64} {
  func.func @_tc_body(%arg0: memref<2x10112x128xf32, #tpu.memory_space<vmem>>, %arg1: memref<2x10112x18xf32, #tpu.memory_space<vmem>>, %arg2: memref<18x128xf32, #tpu.memory_space<vmem>>, %arg3: memref<128x256xf32, #tpu.memory_space<vmem>>, %arg4: memref<1x256xf32, #tpu.memory_space<vmem>>, %arg5: memref<256x128xf32, #tpu.memory_space<vmem>>, %arg6: memref<1x128xf32, #tpu.memory_space<vmem>>, %arg7: memref<1x128xf32, #tpu.memory_space<vmem>>, %arg8: memref<1x128xf32, #tpu.memory_space<vmem>>, %arg9: memref<10000x128xf32, #tpu.memory_space<vmem>>) attributes {dimension_semantics = [], scalar_prefetch = 0 : i64, scratch_operands = 0 : i64, tpu.core_type = #tpu.core_type<tc>} {
    %get3A = arith.constant 0 : index
    %get3A_0 = arith.constant 0 : index
    %get3A_1 = arith.constant 0 : index
    %get3A_2 = vector.load %arg1[%get3A, %get3A_0, %get3A_1] : memref<2x10112x18xf32, #tpu.memory_space<vmem>>, vector<1x10000x18xf32>
    %get3A_3 = vector.shape_cast %get3A_2 : vector<1x10000x18xf32> to vector<10000x18xf32>
    %get3A_4 = arith.constant 1 : index
    %get3A_5 = arith.constant 0 : index
    %get3A_6 = arith.constant 0 : index
    %get3A_7 = vector.load %arg1[%get3A_4, %get3A_5, %get3A_6] : memref<2x10112x18xf32, #tpu.memory_space<vmem>>, vector<1x10000x18xf32>
    %get3A_8 = vector.shape_cast %get3A_7 : vector<1x10000x18xf32> to vector<10000x18xf32>
    %add3A = arith.addf %get3A_3, %get3A_8 : vector<10000x18xf32>
    %get3A_9 = arith.constant 0 : index
    %get3A_10 = arith.constant 0 : index
    %get3A_11 = arith.constant 0 : index
    %get3A_12 = vector.load %arg0[%get3A_9, %get3A_10, %get3A_11] : memref<2x10112x128xf32, #tpu.memory_space<vmem>>, vector<1x10000x128xf32>
    %get3A_13 = vector.shape_cast %get3A_12 : vector<1x10000x128xf32> to vector<10000x128xf32>
    %get3A_14 = arith.constant 1 : index
    %get3A_15 = arith.constant 0 : index
    %get3A_16 = arith.constant 0 : index
    %get3A_17 = vector.load %arg0[%get3A_14, %get3A_15, %get3A_16] : memref<2x10112x128xf32, #tpu.memory_space<vmem>>, vector<1x10000x128xf32>
    %get3A_18 = vector.shape_cast %get3A_17 : vector<1x10000x128xf32> to vector<10000x128xf32>
    %add3A_19 = arith.addf %get3A_13, %get3A_18 : vector<10000x128xf32>
    %get3A_20 = arith.constant 0 : index
    %get3A_21 = arith.constant 0 : index
    %get3A_22 = vector.load %arg2[%get3A_20, %get3A_21] : memref<18x128xf32, #tpu.memory_space<vmem>>, vector<18x128xf32>
    %dot_general3A = arith.constant dense<0.000000e+00> : vector<10000x128xf32>
    %dot_general3A_23 = tpu.matmul %add3A, %get3A_22, %dot_general3A {dimension_numbers = #tpu.dot_dimension_numbers<[1], [0], [0], [1], [0, 0, 1, 1], [], []>, transpose_lhs_hint = false} : vector<10000x18xf32>, vector<18x128xf32>, vector<10000x128xf32> -> vector<10000x128xf32>
    %add3A_24 = arith.addf %add3A_19, %dot_general3A_23 : vector<10000x128xf32>
    %get3A_25 = arith.constant 0 : index
    %get3A_26 = arith.constant 0 : index
    %get3A_27 = vector.load %arg3[%get3A_25, %get3A_26] : memref<128x256xf32, #tpu.memory_space<vmem>>, vector<128x256xf32>
    %dot_general3A_28 = arith.constant dense<0.000000e+00> : vector<10000x256xf32>
    %dot_general3A_29 = tpu.matmul %add3A_24, %get3A_27, %dot_general3A_28 {dimension_numbers = #tpu.dot_dimension_numbers<[1], [0], [0], [1], [0, 0, 1, 1], [], []>, transpose_lhs_hint = false} : vector<10000x128xf32>, vector<128x256xf32>, vector<10000x256xf32> -> vector<10000x256xf32>
    %get3A_30 = arith.constant 0 : index
    %get3A_31 = arith.constant 0 : index
    %get3A_32 = vector.load %arg4[%get3A_30, %get3A_31] : memref<1x256xf32, #tpu.memory_space<vmem>>, vector<1x256xf32>
    %add3A_33 = vector.broadcast %get3A_32 : vector<1x256xf32> to vector<10000x256xf32>
    %add3A_34 = arith.addf %dot_general3A_29, %add3A_33 : vector<10000x256xf32>
    %max3A = arith.constant 0.000000e+00 : f32
    %max3A_35 = vector.broadcast %max3A : f32 to vector<10000x256xf32>
    %max3A_36 = arith.maximumf %add3A_34, %max3A_35 : vector<10000x256xf32>
    %get3A_37 = arith.constant 0 : index
    %get3A_38 = arith.constant 0 : index
    %get3A_39 = vector.load %arg5[%get3A_37, %get3A_38] : memref<256x128xf32, #tpu.memory_space<vmem>>, vector<256x128xf32>
    %dot_general3A_40 = arith.constant dense<0.000000e+00> : vector<10000x128xf32>
    %dot_general3A_41 = tpu.matmul %max3A_36, %get3A_39, %dot_general3A_40 {dimension_numbers = #tpu.dot_dimension_numbers<[1], [0], [0], [1], [0, 0, 1, 1], [], []>, transpose_lhs_hint = false} : vector<10000x256xf32>, vector<256x128xf32>, vector<10000x128xf32> -> vector<10000x128xf32>
    %get3A_42 = arith.constant 0 : index
    %get3A_43 = arith.constant 0 : index
    %get3A_44 = vector.load %arg6[%get3A_42, %get3A_43] : memref<1x128xf32, #tpu.memory_space<vmem>>, vector<1x128xf32>
    %add3A_45 = vector.broadcast %get3A_44 : vector<1x128xf32> to vector<10000x128xf32>
    %add3A_46 = arith.addf %dot_general3A_41, %add3A_45 : vector<10000x128xf32>
    %reduce_sum3A = arith.constant dense<0.000000e+00> : vector<128xf32>
    %reduce_sum3A_47 = vector.multi_reduction <add>, %add3A_46, %reduce_sum3A [0] : vector<10000x128xf32> to vector<128xf32>
    %broadcast_in_dim3A = vector.shape_cast %reduce_sum3A_47 : vector<128xf32> to vector<1x128xf32>
    %div3A = arith.constant 1.000000e+04 : f32
    %div3A_48 = vector.broadcast %div3A : f32 to vector<1x128xf32>
    %div3A_49 = arith.divf %broadcast_in_dim3A, %div3A_48 : vector<1x128xf32>
    %sub3A = vector.broadcast %div3A_49 : vector<1x128xf32> to vector<10000x128xf32>
    %sub3A_50 = arith.subf %add3A_46, %sub3A : vector<10000x128xf32>
    %integer_pow3A = arith.mulf %sub3A_50, %sub3A_50 : vector<10000x128xf32>
    %reduce_sum3A_51 = arith.constant dense<0.000000e+00> : vector<128xf32>
    %reduce_sum3A_52 = vector.multi_reduction <add>, %integer_pow3A, %reduce_sum3A_51 [0] : vector<10000x128xf32> to vector<128xf32>
    %broadcast_in_dim3A_53 = vector.shape_cast %reduce_sum3A_52 : vector<128xf32> to vector<1x128xf32>
    %div3A_54 = arith.constant 1.000000e+04 : f32
    %div3A_55 = vector.broadcast %div3A_54 : f32 to vector<1x128xf32>
    %div3A_56 = arith.divf %broadcast_in_dim3A_53, %div3A_55 : vector<1x128xf32>
    %sub3A_57 = vector.broadcast %div3A_49 : vector<1x128xf32> to vector<10000x128xf32>
    %sub3A_58 = arith.subf %add3A_46, %sub3A_57 : vector<10000x128xf32>
    %add3A_59 = arith.constant 9.99999974E-6 : f32
    %add3A_60 = vector.broadcast %add3A_59 : f32 to vector<1x128xf32>
    %add3A_61 = arith.addf %div3A_56, %add3A_60 : vector<1x128xf32>
    %rsqrt3A = math.rsqrt %add3A_61 : vector<1x128xf32>
    %mul3A = vector.broadcast %rsqrt3A : vector<1x128xf32> to vector<10000x128xf32>
    %mul3A_62 = arith.mulf %sub3A_58, %mul3A : vector<10000x128xf32>
    %get3A_63 = arith.constant 0 : index
    %get3A_64 = arith.constant 0 : index
    %get3A_65 = vector.load %arg7[%get3A_63, %get3A_64] : memref<1x128xf32, #tpu.memory_space<vmem>>, vector<1x128xf32>
    %mul3A_66 = vector.broadcast %get3A_65 : vector<1x128xf32> to vector<10000x128xf32>
    %mul3A_67 = arith.mulf %mul3A_62, %mul3A_66 : vector<10000x128xf32>
    %get3A_68 = arith.constant 0 : index
    %get3A_69 = arith.constant 0 : index
    %get3A_70 = vector.load %arg8[%get3A_68, %get3A_69] : memref<1x128xf32, #tpu.memory_space<vmem>>, vector<1x128xf32>
    %add3A_71 = vector.broadcast %get3A_70 : vector<1x128xf32> to vector<10000x128xf32>
    %add3A_72 = arith.addf %mul3A_67, %add3A_71 : vector<10000x128xf32>
    %swap3A = arith.constant 0 : index
    %swap3A_73 = arith.constant 0 : index
    %swap3A_74 = vector.load %arg9[%swap3A, %swap3A_73] : memref<10000x128xf32, #tpu.memory_space<vmem>>, vector<10000x128xf32>
    tpu.vector_store %arg9[%swap3A, %swap3A_73], %add3A_72 {strides = array<i32>} : memref<10000x128xf32, #tpu.memory_space<vmem>>, vector<10000x128xf32>,
    return
  }
}

</mosaic_0001>

<sc_bundles>
// kernel: kernel.4.cloned.1.call-start
scs
__scs_entry_jumppad:
0x0: {  	(pc) =	sbr.rel $0x88, $3  }
0x1: {  	(tag) =	ssettag $0x0;
	lr =	simm.s32 $0x1  }
0x2: {  	[smem:$0x3F95] =	sst lr;
	_ =	strace $0xD0000000  }
0x3: {  	_ = 	snop  }
0x4: {  	_ = 	snop  }
0x5: {  	_ = 	snop  }
0x6: {  	_ = 	snop  }
0x7: {  	_ = 	snop  }
__scs_overlays_trampoline_lowered:
0x8: {  	[smem:$0x3FA4] =	sst s0  }
0x9: {  	[smem:$0x3FA5] =	sst s1  }
0xa: {  	[smem:$0x3FA6] =	sst s2  }
0xb: {  	[smem:$0x3FA7] =	sst s3  }
0xc: {  	[smem:$0x3FA8] =	sst s4  }
0xd: {  	[smem:$0x3FA9] =	sst s5  }
0xe: {  	[smem:$0x3FAA] =	sst s6  }
0xf: {  	[smem:$0x3FAB] =	sst s7  }
0x10: {  	[smem:$0x3FAC] =	sst s8  }
0x11: {  	[smem:$0x3FAD] =	sst s9;
	s0 =	simm.s32 @!p0 $0x0  }
0x12: {  	s1 =	sld [smem:$0x3F93];
	s0 =	simm.s32 @p0 $0x1  }
0x13: {  	[smem:$0x3FAE] =	sst s0;
	s0 =	simm.s32 @!p1 $0x0  }
0x14: {  	s2 =	sld [smem:$0x3F92];
	s0 =	simm.s32 @p1 $0x1  }
0x15: {  	[smem:$0x3FAF] =	sst s0;
	s0 =	simm.s32 @!p2 $0x0  }
0x16: {  	s3 =	sld [smem:$0x3FDB];
	s0 =	simm.s32 @p2 $0x1  }
0x17: {  	s4 =	simm.s32 $0x1BF5;
	[smem:$0x3FB1] =	sst s0  }
0x18: {  	s0 =	sld [smem:$0x3F94];
	_ =	swait.ge [sflag:s4], $0x0  }
0x19: {  	s7 =	sld [smem:$0x3F95]  }
0x1a: {  	s8 =	sadd.s32 $0xFFFFE003, lr  }
0x1b: {  	s9 =	sadd.s32 $0xFFFFFEF7, lr;
	s5 =	simm.s32 $0xFFFFFFFF;
	p2 =	slt.u32 s8, $0xFFFFF086  }
0x1c: {  	p1 =	slt.u32 s9, $0xF7A;
	s5 =	simm.s32 @!p2 $0x0  }
0x1d: {  	s5 =	simm.s32 @p1 $0x1;
	p0 =	seq.s32 s7, s2  }
0x1e: {  	s7 =	smul.u32 @!p0 $0xF7A, s2;
	p2 =	seq.s32 @!p0 s5, $0x0  }
0x1f: {  	s9 =	smul.u32 $0xF7A, s1;
	s8 =	simm.s32 @!p0 $0x1BF5;
	p2 =	por !p2, p0  }
0x20: {  	[sflag:s8] =	ssyncset.s32 @!p0 $0xFFFFF086;
	s6 =	sadd.s32 @!p0 s3, s7;
	s7 =	simm.s32 @!p0 $0x108  }
0x21: {  	s3 =	sadd.s32 s3, s9;
	s6 =	sadd.s32 @!p0 $0x88, s6;
	s7 =	simm.s32 @p2 $0x1082  }
0x22: {  	[simem:s7], [sflag:s8] =	dma.local @!p0 [hbm:s6], $0xF7A  }
0x23: {  	s9 =	sor.u32 $0xD0000000, s2;
	s6 =	simm.s32 $0x108;
	_ =	swait.ge @!p0 [sflag:s8], $0x0  }
0x24: {  	s3 =	sadd.s32 $0x88, s3;
	s6 =	simm.s32 @!p1 $0x1082;
	[sflag:s4] =	ssyncset.s32 $0xFFFFF086  }
0x25: {  	[simem:s6], [sflag:s4] =	dma.local [hbm:s3], $0xF7A  }
0x26: {  	[smem:$0x3F95] =	sst s1;
	(tag) =	ssettag s2;
	_ =	strace s9  }
0x27: {  	s1 =	sld [smem:$0x3FA5]  }
0x28: {  	s2 =	sld [smem:$0x3FA6]  }
0x29: {  	s4 =	sld [smem:$0x3FA8]  }
0x2a: {  	p0 =	seq.s32 s5, $0x0;
	s5 =	sld [smem:$0x3FA9]  }
0x2b: {  	s6 =	sld [smem:$0x3FAA]  }
0x2c: {  	s7 =	sld [smem:$0x3FAB]  }
0x2d: {  	s3 =	simm.s32 $0x108;
	s8 =	sld [smem:$0x3FAC]  }
0x2e: {  	s3 =	simm.s32 @!p0 $0x1082;
	s9 =	sld [smem:$0x3FAD]  }
0x2f: {  	lr =	sadd.s32 s0, s3;
	s0 =	sld [smem:$0x3FA4]  }
0x30: {  	s3 =	sld [smem:$0x3FA7]  }
0x31: {  	[smem:$0x3FB0] =	sst s10  }
0x32: {  	s10 =	sld [smem:$0x3FAE];
	_ =	sdelay $0x3  }
0x33: {  	p0 =	seq.s32 s10, $0x1;
	s10 =	sld [smem:$0x3FB0];
	_ =	sdelay $0x3  }
0x34: {  	[smem:$0x3FB0] =	sst s10  }
0x35: {  	s10 =	sld [smem:$0x3FAF];
	_ =	sdelay $0x3  }
0x36: {  	p1 =	seq.s32 s10, $0x1;
	s10 =	sld [smem:$0x3FB0];
	_ =	sdelay $0x3  }
0x37: {  	[smem:$0x3FB0] =	sst s10  }
0x38: {  	s10 =	sld [smem:$0x3FB1]  }
0x39: {  	_ = 	snop;
	(pc) =	sbr.ind lr, $3  }
0x3a: {  	_ = 	snop  }
0x3b: {  	_ = 	snop  }
0x3c: {  	p2 =	seq.s32 s10, $0x1;
	s10 =	sld [smem:$0x3FB0]  }
0x3d: {  	_ =	shalt  }
0x3e: {  	_ =	shalt  }
0x3f: {  	_ =	shalt  }
0x40: {  	_ =	shalt  }
0x41: {  	_ =	shalt  }
0x42: {  	_ =	shalt  }
0x43: {  	_ =	shalt  }
0x44: {  	_ =	shalt  }
0x45: {  	_ =	shalt  }
0x46: {  	_ =	shalt  }
0x47: {  	_ =	shalt  }
0x48: {  	_ =	shalt  }
0x49: {  	_ =	shalt  }
0x4a: {  	_ =	shalt  }
0x4b: {  	_ =	shalt  }
0x4c: {  	_ =	shalt  }
0x4d: {  	_ =	shalt  }
0x4e: {  	_ =	shalt  }
0x4f: {  	_ =	shalt  }
0x50: {  	_ =	shalt  }
0x51: {  	_ =	shalt  }
0x52: {  	_ =	shalt  }
0x53: {  	_ =	shalt  }
0x54: {  	_ =	shalt  }
0x55: {  	_ =	shalt  }
0x56: {  	_ =	shalt  }
0x57: {  	_ =	shalt  }
0x58: {  	_ =	shalt  }
0x59: {  	_ =	shalt  }
0x5a: {  	_ =	shalt  }
0x5b: {  	_ =	shalt  }
0x5c: {  	_ =	shalt  }
0x5d: {  	_ =	shalt  }
0x5e: {  	_ =	shalt  }
0x5f: {  	_ =	shalt  }
0x60: {  	_ =	shalt  }
0x61: {  	_ =	shalt  }
0x62: {  	_ =	shalt  }
0x63: {  	_ =	shalt  }
0x64: {  	_ =	shalt  }
0x65: {  	_ =	shalt  }
0x66: {  	_ =	shalt  }
0x67: {  	_ =	shalt  }
0x68: {  	_ =	shalt  }
0x69: {  	_ =	shalt  }
0x6a: {  	_ =	shalt  }
0x6b: {  	_ =	shalt  }
0x6c: {  	_ =	shalt  }
0x6d: {  	_ =	shalt  }
0x6e: {  	_ =	shalt  }
0x6f: {  	_ =	shalt  }
0x70: {  	_ =	shalt  }
0x71: {  	_ =	shalt  }
0x72: {  	_ =	shalt  }
0x73: {  	_ =	shalt  }
0x74: {  	_ =	shalt  }
0x75: {  	_ =	shalt  }
0x76: {  	_ =	shalt  }
0x77: {  	_ =	shalt  }
0x78: {  	_ =	shalt  }
0x79: {  	_ =	shalt  }
0x7a: {  	_ =	shalt  }
0x7b: {  	_ =	shalt  }
0x7c: {  	_ =	shalt  }
0x7d: {  	_ =	shalt  }
0x7e: {  	_ =	shalt  }
0x7f: {  	_ =	shalt  }
0x80: {  	_ =	shalt  }
0x81: {  	_ =	shalt  }
0x82: {  	_ =	shalt  }
0x83: {  	_ =	shalt  }
0x84: {  	_ =	shalt  }
0x85: {  	_ =	shalt  }
0x86: {  	_ =	shalt  }
0x87: {  	_ =	shalt  }
.Lfunc_end0:
.L_simem_size_0:
called_computation_lowered:
.L_overlay_start_0:
0x88: {  	s2 =	sld [smem:$0x3FD9]  }
0x89: {  	s3 =	sld [smem:$0x3FFE];
	_ =	sdelay $0x1  }
0x8a: {  	s1 =	srdreg.scid  }
0x8b: {  	s0 =	sand.u32 $0x1, s1  }
0x8c: {  	s17 =	sshll.u32 s0, $0xA;
	s2 =	sadd.s32 s3, s2  }
0x8d: {  	s2 =	sadd.s32 s2, s17  }
0x8e: {  	[smem:$0x3FBC] =	sst s2  }
0x8f: {  	_ = 	snop  }
0x90: {  	s2 =	sld [smem:$0x3FC9]  }
0x91: {  	s18 =	sld [smem:$0x3FD0];
	(tm) =	ssettm $0x1  }
0x92: {  	s4 =	sld [smem:$0x3FFB];
	_ =	sdelay $0x3  }
0x93: {  	_ =	strace s4  }
0x94: {  	s4 =	sld [smem:$0x3FFC];
	_ =	sdelay $0x3  }
0x95: {  	_ =	strace s4  }
0x96: {  	s4 =	sld [smem:$0x3FFD];
	_ =	sdelay $0x3  }
0x97: {  	_ =	strace s4  }
0x98: {  	_ =	strace $0x8FFFFFFF  }
0x99: {  	s19 =	sld [smem:$0x3FDB];
	_ =	sdelay $0x1  }
0x9a: {  	s5 =	simm.s32 $_scs_section_size  }
0x9b: {  	s6 =	simm.s32 $_size__tile_overlayer_lowered;
	s7 =	simm.s32 $_tile_overlayer_lowered  }
0x9c: {  	s22 =	simm.s32 $0x1BFF;
	s21 =	sshll.u32 s7, $0x1;
	s4 =	sadd.s32 s5, s19  }
0x9d: {  	s8 =	simm.s32 $0x0;
	s20 =	sshll.u32 s6, $0x1;
	s6 =	sadd.s32 s21, s4  }
0x9e: {  	[timem:s8], [sflag:s22] =	dma.local [hbm:s6], s20  }
0x9f: {  	_ =	swait.ge [sflag:s22], s20  }
0xa0: {  	s5 =	ssub.s32 $0x0, s20;
	[sflag:s22] =	ssyncset.done $0x0  }
0xa1: {  	[sflag:s22] =	ssyncadd.s32 s5;
	_ =	sdelay $0x1  }
0xa2: {  	s23 =	simm.s32 $0x1B8B  }
0xa3: {  	_ =	swait.ge [sflag:s23], $0x1  }
0xa4: {  	[sflag:s23] =	ssyncset.done $0x0  }
0xa5: {  	s25 =	simm.s32 $0x1B8E;
	s24 =	sld [smem:$0x3FFE];
	[sflag:s23] =	ssyncadd.s32 $0xFFFFFFFF  }
0xa6: {  	s26 =	simm.s32 $execute0_lowered;
	[smem:$0x3FD2] =	sst s25  }
0xa7: {  	s6 =	sshll.u32 s26, $0x1;
	_ =	strace $0x80000046;
	[dreg:$0x1] =	wrdreg $0xFFFFFFFF  }
0xa8: {  	s28 =	simm.s32 $_size_execute0_lowered;
	s4 =	sadd.s32 s4, s6;
	[dreg:$0x0] =	wrdreg $0x0  }
0xa9: {  	s6 =	sshll.u32 s28, $0x1;
	[dreg:$0x2] =	wrdreg s4  }
0xaa: {  	[dreg:$0x3] =	wrdreg s6  }
0xab: {  	[dreg:$0x4] =	wrdreg $0xC0  }
0xac: {  	_ =	task [dreg:s8], $0x5FFFF  }
0xad: {  	[dreg:$0x1] =	wrdreg $0xFFFFFFFF  }
0xae: {  	[dreg:$0x0] =	wrdreg $0x60  }
0xaf: {  	[dreg:$0x2] =	wrdreg s2  }
0xb0: {  	[dreg:$0x3] =	wrdreg s24  }
0xb1: {  	[dreg:$0x4] =	wrdreg s18  }
0xb2: {  	[dreg:$0x5] =	wrdreg $0x8C800  }
0xb3: {  	[dreg:$0x6] =	wrdreg $0x1C8800  }
0xb4: {  	[dreg:$0x7] =	wrdreg $0x9  }
0xb5: {  	_ =	task.clear_ibuf [dreg:s8], $0x8FFFF;
	_ =	strace $0x90000046  }
0xb6: {  	s29 =	simm.s32 $0x9;
	_ =	strace $0x80000048  }
0xb7: {  	_ =	swait.ge [sflag:s29], $0x1  }
0xb8: {  	[sflag:s29] =	ssyncadd.s32 $0xFFFFFFFF  }
0xb9: {  	_ =	strace $0x90000048  }
0xba: {  	_ =	sfence  }
0xbb: {  	s30 =	sld [smem:$0x0];
	_ =	sdelay $0x2  }
0xbc: {  	s31 =	sshll.u32 s1, $0xD;
	s1 =	sshrl.u32 s1, $0x2  }
0xbd: {  	s3 =	sand.u32 $0x4000, s31;
	s1 =	sadd.s32 s1, s30  }
0xbe: {  	s0 =	sor.u32 s3, s0;
	s1 =	sshll.u32 s1, $0x11  }
0xbf: {  	s0 =	sor.u32 s1, s0  }
0xc0: {  	s0 =	sadd.s32 $0x8F2B, s0  }
0xc1: {  	[sflag:s0] =	ssyncadd.remote.s32 $0x1  }
0xc2: {  	_ =	sfence.sel $0xFFFF  }
0xc3: {  	[dreg:$0x0] =	wrdreg $0xFFFFFFFF;
	(pc) =	sbr.abs _section_cstart, $3  }
0xc4: {  	[dreg:$0x1] =	wrdreg $0xFFFFFFFF  }
0xc5: {  	_ =	task.clear_ibuf [dreg:s8], $0x2FFFF;
	_ =	strace $0x9FFFFFFF  }
0xc6: {  	(tm) =	ssettm $0x7FFFFFFF  }
0xc7: {  	_ =	shalt  }
tec
execute0_lowered:
.L_overlay_start_1:
0x0: {  	(tag) =	ssettag $0x1  }
0x1: {  	s1 =	rddreg [dreg:$0x0]  }
0x2: {  	s6 =	rddreg [dreg:$0x1]  }
0x3: {  	s0 =	rddreg [dreg:$0x2]  }
0x4: {  	s2 =	rddreg [dreg:$0x3]  }
0x5: {  	s3 =	rddreg [dreg:$0x4];
	s5 =	simm.s32 $0x0;
	s4 =	srdreg.scid  }
0x6: {  	s17 =	stileid.u32;
	[smem:$0x7FF] =	sst s5  }
0x7: {  	s4 =	sand.u32 $0x1, s4;
	s8 =	sadd.s32 $0x15800, s6;
	s9 =	smul.u32 $0x13C00, s17  }
0x8: {  	s10 =	sadd.s32 $0xB800, s6;
	s11 =	sadd.s32 $0x1800, s6;
	s21 =	smul.u32 $0x4F000, s17  }
0x9: {  	s12 =	sadd.s32 $0x1FE00, s6;
	s20 =	sadd.s32 $0x1F800, s6;
	s13 =	smul.u32 $0x5000, s17  }
0xa: {  	s15 =	sshll.u32 s17, $0x1;
	s24 =	smul.u32 $0xB200, s17;
	s25 =	sshll.u32 s17, $0x6  }
0xb: {  	s7 =	smul.u32 $0x13C000, s4;
	_ =	strace $0x80000047;
	[dreg:$0x1c] =	wrdreg s12  }
0xc: {  	s22 =	ssub.s32 $0x2, s4;
	s16 =	smul.u32 $0x2800, s4;
	s23 =	sor.u32 s4, s15  }
0xd: {  	[dreg:$0x1d] =	wrdreg s20;
	s14 =	sshrl.u32 s22, $0x1;
	s12 =	smul.u32 $0x2800, s23  }
0xe: {  	s7 =	sadd.s32 s9, s7;
	s9 =	sshrl.u32 s21, $0x2;
	s13 =	sadd.s32 s16, s13  }
0xf: {  	s7 =	sshrl.u32 s7, $0x3;
	s9 =	sadd.s32 s9, s2;
	s26 =	sor.u32 $0x400, s13  }
0x10: {  	s12 =	sshrl.u32 s12, $0x3;
	s6 =	sadd.s32 s7, s6;
	s7 =	ssub.s32 s22, s14  }
0x11: {  	[dreg:$0x1e] =	wrdreg s9;
	s14 =	sshrl.u32 s24, $0x2;
	s24 =	simm.s32 $0x480  }
0x12: {  	s15 =	sshrl.u32 s26, $0x3;
	s26 =	sadd.s32 s11, s12;
	[dreg:$0xc] =	wrdreg s24  }
0x13: {  	s9 =	sor.u32 $0x1C07, s25;
	s25 =	simm.s32 $0x880;
	[smem:$0x7FA] =	sst s26  }
0x14: {  	s14 =	sadd.s32 s14, s3;
	[dreg:$0xd] =	wrdreg s25  }
0x15: {  	s16 =	sadd.s32 s15, s11;
	[dreg:$0x1f] =	wrdreg s14  }
0x16: {  	s13 =	sshrl.u32 s13, $0x3;
	s18 =	sadd.s32 s15, s10;
	[dreg:$0x6] =	wrdreg s16  }
0x17: {  	s20 =	sadd.s32 s13, s8;
	s19 =	sadd.s32 s15, s8;
	[dreg:$0x7] =	wrdreg s18  }
0x18: {  	s22 =	sadd.s32 s13, s10;
	s21 =	sadd.s32 $0x40, s20;
	[dreg:$0x8] =	wrdreg s19  }
0x19: {  	s23 =	sadd.s32 $0x40, s22;
	[dreg:$0x9] =	wrdreg s21  }
0x1a: {  	s13 =	sadd.s32 s13, s11;
	s8 =	sadd.s32 s8, s12;
	[dreg:$0xa] =	wrdreg s23  }
0x1b: {  	s13 =	sadd.s32 $0x40, s13;
	[smem:$0x7F8] =	sst s8  }
0x1c: {  	s10 =	sadd.s32 s10, s12;
	[dreg:$0xb] =	wrdreg s13  }
0x1d: {  	s28 =	simm.s32 $0x3;
	s6 =	sadd.s32 $0x22600, s6;
	[smem:$0x7F9] =	sst s10  }
0x1e: {  	s29 =	simm.s32 $0x8C00;
	s11 =	simm.s32 $0x100;
	[smem:$0x7FB] =	sst s6  }
0x1f: {  	s30 =	simm.s32 $0x4;
	s12 =	simm.s32 $0x180;
	[dreg:$0xe] =	wrdreg s11  }
0x20: {  	s31 =	simm.s32 $0x5;
	s15 =	simm.s32 $0x900;
	[dreg:$0xf] =	wrdreg s12  }
0x21: {  	s4 =	sshll.u32 s4, $0x7;
	s20 =	simm.s32 $0x680;
	[dreg:$0x11] =	wrdreg s15  }
0x22: {  	s22 =	simm.s32 $0x300;
	s24 =	simm.s32 $0x700;
	[dreg:$0x15] =	wrdreg s20  }
0x23: {  	s25 =	simm.s32 $0xB00;
	s26 =	simm.s32 $0x780;
	[dreg:$0x17] =	wrdreg s22  }
0x24: {  	s13 =	smul.u32 $0x5900, s17;
	s14 =	simm.s32 $0x500;
	[dreg:$0x19] =	wrdreg s24  }
0x25: {  	s16 =	simm.s32 $0x580;
	s17 =	simm.s32 $0x980;
	[dreg:$0x1a] =	wrdreg s25  }
0x26: {  	s18 =	simm.s32 $0x280;
	s19 =	smax.u32 s7, $0x1;
	[dreg:$0x1b] =	wrdreg s26  }
0x27: {  	s21 =	simm.s32 $0xA80;
	s23 =	simm.s32 $0x380;
	[dreg:$0x10] =	wrdreg s14  }
0x28: {  	s20 =	simm.s32 $0x1;
	s22 =	simm.s32 $0x600;
	[dreg:$0x12] =	wrdreg s16  }
0x29: {  	s24 =	simm.s32 $0x80;
	s25 =	simm.s32 $0xC00;
	[dreg:$0x13] =	wrdreg s17  }
0x2a: {  	s26 =	simm.s32 $0x4C00;
	s6 =	simm.s32 $0xB80;
	[smem:$0x7FD] =	sst s19  }
0x2b: {  	s7 =	simm.s32 $0x0;
	[dreg:$0x14] =	wrdreg s18;
	s17 =	simm.s32 $0x7  }
0x2c: {  	s18 =	simm.s32 $0x400;
	[dreg:$0x16] =	wrdreg s21;
	s4 =	sor.u32 s4, s13  }
0x2d: {  	s19 =	simm.s32 $0x800;
	[dreg:$0x18] =	wrdreg s23;
	s4 =	sshrl.u32 s4, $0x3  }
0x2e: {  	s21 =	simm.s32 $0x200;
	s23 =	simm.s32 $0xA00;
	s0 =	sadd.s32 s0, s4  }
0x2f: {  	v0 =	vimm.f32 $1.000000000e+00;
	s4 =	simm.s32 $0x2;
	[smem:$0x7FC] =	sst s0;
	s0 =	simm.s32 $0x6  }
.LBB2_1:
0x30: {  	s8 =	rddreg [dreg:$0x1e]  }
0x31: {  	s10 =	rddreg [dreg:$0x1c];
	s8 =	sshrl.u32 s8, $0x3  }
0x32: {  	[spmem:s8], [sflag:s9] =	dma.local [hbm:s10], $0x2780  }
0x33: {  	s10 =	rddreg [dreg:$0x1f]  }
0x34: {  	s11 =	rddreg [dreg:$0x1d];
	s10 =	sshrl.u32 s10, $0x3  }
0x35: {  	[spmem:s10], [sflag:s9] =	dma.local [hbm:s11], $0x590  }
0x36: {  	_ =	swait.ge [sflag:s17], $0x2780  }
0x37: {  	[sflag:s17] =	ssyncset.done $0x0  }
0x38: {  	[sflag:s17] =	ssyncadd.s32 $0xFFFFD880  }
0x39: {  	_ =	swait.ge [sflag:s17], $0x590  }
0x3a: {  	[sflag:s17] =	ssyncset.done $0x0  }
0x3b: {  	[sflag:s17] =	ssyncadd.s32 $0xFFFFFA70  }
0x3c: {  	[tilespmem:$0x8C00] =	vst v0  }
0x3d: {  	[tilespmem:$0x8C10] =	vst v0  }
0x3e: {  	[tilespmem:$0x8C20] =	vst v0  }
0x3f: {  	[tilespmem:$0x8C30] =	vst v0  }
0x40: {  	[tilespmem:$0x8C40] =	vst v0  }
0x41: {  	[tilespmem:$0x8C50] =	vst v0  }
0x42: {  	[tilespmem:$0x8C60] =	vst v0  }
0x43: {  	[tilespmem:$0x8C70] =	vst v0  }
0x44: {  	[bflag:$0x0] =	sbarrier.arrive $0xFFFF  }
0x45: {  	s13 =	sld [smem:$0x7F8];
	_ =	sdelay $0x1  }
0x46: {  	s14 =	sld [smem:$0x7F9]  }
0x47: {  	[tilespmem:s5], [sflag:$0x1] =	stream.linear.gather [hbm4b:s13+s5], $0x200, $0x38;
	[tilespmem:$0x1F500] =	vst v63  }
0x48: {  	s15 =	sld [smem:$0x7FA]  }
0x49: {  	[tilespmem:s18], [sflag:$0x1] =	stream.linear.gather [hbm4b:s14+s5], $0x200, $0x38;
	[tilespmem:$0x1F500] =	vst v63  }
0x4a: {  	_ = 	snop  }
0x4b: {  	[tilespmem:s19], [sflag:$0x1] =	stream.linear.gather [hbm4b:s15+s5], $0x200, $0x38;
	[tilespmem:$0x1F500] =	vst v63  }
0x4c: {  	_ =	swait.ge [sflag:s20], $0x200  }
0x4d: {  	[sflag:s20] =	ssyncset.done $0x0  }
0x4e: {  	[sflag:s20] =	ssyncadd.s32 $0xFFFFFE00  }
0x4f: {  	_ =	swait.ge [sflag:s20], $0x200  }
0x50: {  	[sflag:s20] =	ssyncset.done $0x0  }
0x51: {  	[sflag:s20] =	ssyncadd.s32 $0xFFFFFE00  }
0x52: {  	_ =	swait.ge [sflag:s20], $0x200  }
0x53: {  	s16 =	rddreg [dreg:$0x9];
	[sflag:s20] =	ssyncset.done $0x0  }
0x54: {  	s12 =	rddreg [dreg:$0xa];
	[sflag:s20] =	ssyncadd.s32 $0xFFFFFE00;
	s11 =	sadd.s32 $0x0, s16  }
0x55: {  	[tilespmem:s21], [sflag:$0x2] =	stream.linear.gather [hbm4b:s11+s5], $0x200, $0x38;
	[tilespmem:$0x1F500] =	vst v63  }
0x56: {  	s13 =	rddreg [dreg:$0xb];
	s12 =	sadd.s32 $0x0, s12  }
0x57: {  	[tilespmem:s22], [sflag:$0x2] =	stream.linear.gather [hbm4b:s12+s5], $0x200, $0x38;
	[tilespmem:$0x1F500] =	vst v63  }
0x58: {  	s14 =	sadd.s32 $0x0, s13  }
0x59: {  	[tilespmem:s23], [sflag:$0x2] =	stream.linear.gather [hbm4b:s14+s5], $0x200, $0x38;
	[tilespmem:$0x1F500] =	vst v63  }
0x5a: {  	_ = 	snop  }
0x5b: {  	[tilespmem:s25], [sflag:$0x3] =	stream.indirect.gather [hbm4b:s1+s24], $0x80, s5, s24, $0xb8;
	[tilespmem:$0x1F500] =	vst v63  }
0x5c: {  	_ = 	snop  }
0x5d: {  	[tilespmem:s26], [sflag:$0x4] =	stream.indirect.gather [hbm4b:s1+s24], $0x80, s24, s24, $0xb8;
	[tilespmem:$0x1F500] =	vst v63  }
0x5e: {  	_ =	swait.ge [sflag:s28], $0x4000  }
0x5f: {  	[sflag:s28] =	ssyncset.done $0x0  }
0x60: {  	[sflag:s28] =	ssyncadd.s32 $0xFFFFC000  }
0x61: {  	[spmem:s2] =	stream.indirect.scatter.add.f32 [tilespmem:s25], [sflag:$0x5], $0x80, s18, s24, $0xb8;
	[tilespmem:$0x1F500] =	vst v63  }
0x62: {  	_ = 	snop  }
0x63: {  	[spmem:s3] =	stream.indirect.scatter.add.f32 [tilespmem:s29], [sflag:$0x7], $0x1, s19, s24, $0xb8;
	[tilespmem:$0x1F500] =	vst v63  }
0x64: {  	_ =	swait.ge [sflag:s30], $0x4000  }
0x65: {  	[sflag:s30] =	ssyncset.done $0x0  }
0x66: {  	s15 =	rddreg [dreg:$0xc];
	[sflag:s30] =	ssyncadd.s32 $0xFFFFC000  }
0x67: {  	[spmem:s2] =	stream.indirect.scatter.add.f32 [tilespmem:s26], [sflag:$0x6], $0x80, s15, s24, $0xb8;
	[tilespmem:$0x1F500] =	vst v63  }
0x68: {  	s16 =	rddreg [dreg:$0xd]  }
0x69: {  	[spmem:s3] =	stream.indirect.scatter.add.f32 [tilespmem:s29], [sflag:$0x7], $0x1, s16, s24, $0xb8;
	[tilespmem:$0x1F500] =	vst v63  }
0x6a: {  	_ =	swait.ge [sflag:s31], $0x4000  }
0x6b: {  	[sflag:s31] =	ssyncset.done $0x0  }
0x6c: {  	s13 =	rddreg [dreg:$0xe];
	[sflag:s31] =	ssyncadd.s32 $0xFFFFC000  }
0x6d: {  	[tilespmem:s25], [sflag:$0x3] =	stream.indirect.gather [hbm4b:s1+s24], $0x80, s13, s24, $0xb8;
	[tilespmem:$0x1F500] =	vst v63  }
0x6e: {  	_ =	swait.ge [sflag:s0], $0x4000  }
0x6f: {  	[sflag:s0] =	ssyncset.done $0x0  }
0x70: {  	s14 =	rddreg [dreg:$0xf];
	[sflag:s0] =	ssyncadd.s32 $0xFFFFC000  }
0x71: {  	[tilespmem:s26], [sflag:$0x4] =	stream.indirect.gather [hbm4b:s1+s24], $0x80, s14, s24, $0xb8;
	[tilespmem:$0x1F500] =	vst v63  }
0x72: {  	_ =	swait.ge [sflag:s28], $0x4000  }
0x73: {  	[sflag:s28] =	ssyncset.done $0x0  }
0x74: {  	s15 =	rddreg [dreg:$0x10];
	[sflag:s28] =	ssyncadd.s32 $0xFFFFC000  }
0x75: {  	[spmem:s2] =	stream.indirect.scatter.add.f32 [tilespmem:s25], [sflag:$0x5], $0x80, s15, s24, $0xb8;
	[tilespmem:$0x1F500] =	vst v63  }
0x76: {  	s16 =	rddreg [dreg:$0x11]  }
0x77: {  	[spmem:s3] =	stream.indirect.scatter.add.f32 [tilespmem:s29], [sflag:$0x7], $0x1, s16, s24, $0xb8;
	[tilespmem:$0x1F500] =	vst v63  }
0x78: {  	_ =	swait.ge [sflag:s30], $0x4000  }
0x79: {  	[sflag:s30] =	ssyncset.done $0x0  }
0x7a: {  	s12 =	rddreg [dreg:$0x12];
	[sflag:s30] =	ssyncadd.s32 $0xFFFFC000  }
0x7b: {  	[spmem:s2] =	stream.indirect.scatter.add.f32 [tilespmem:s26], [sflag:$0x6], $0x80, s12, s24, $0xb8;
	[tilespmem:$0x1F500] =	vst v63  }
0x7c: {  	s13 =	rddreg [dreg:$0x13]  }
0x7d: {  	[spmem:s3] =	stream.indirect.scatter.add.f32 [tilespmem:s29], [sflag:$0x7], $0x1, s13, s24, $0xb8;
	[tilespmem:$0x1F500] =	vst v63  }
0x7e: {  	_ =	swait.ge [sflag:s31], $0x4000  }
0x7f: {  	[sflag:s31] =	ssyncset.done $0x0  }
0x80: {  	[sflag:s31] =	ssyncadd.s32 $0xFFFFC000  }
0x81: {  	_ =	swait.ge [sflag:s0], $0x4000  }
0x82: {  	[sflag:s0] =	ssyncset.done $0x0  }
0x83: {  	[sflag:s0] =	ssyncadd.s32 $0xFFFFC000  }
0x84: {  	_ =	swait.ge [sflag:s17], $0x80  }
0x85: {  	[sflag:s17] =	ssyncset.done $0x0  }
0x86: {  	[sflag:s17] =	ssyncadd.s32 $0xFFFFFF80  }
0x87: {  	_ =	swait.ge [sflag:s17], $0x80  }
0x88: {  	[sflag:s17] =	ssyncset.done $0x0  }
0x89: {  	[sflag:s17] =	ssyncadd.s32 $0xFFFFFF80  }
0x8a: {  	_ =	swait.ge [sflag:s17], $0x80  }
0x8b: {  	[sflag:s17] =	ssyncset.done $0x0  }
0x8c: {  	[sflag:s17] =	ssyncadd.s32 $0xFFFFFF80  }
0x8d: {  	_ =	swait.ge [sflag:s17], $0x80  }
0x8e: {  	[sflag:s17] =	ssyncset.done $0x0  }
0x8f: {  	[sflag:s17] =	ssyncadd.s32 $0xFFFFFF80  }
0x90: {  	_ =	swait.ge [sflag:s4], $0x200  }
0x91: {  	[sflag:s4] =	ssyncset.done $0x0  }
0x92: {  	[sflag:s4] =	ssyncadd.s32 $0xFFFFFE00  }
0x93: {  	_ =	swait.ge [sflag:s4], $0x200  }
0x94: {  	[sflag:s4] =	ssyncset.done $0x0  }
0x95: {  	[sflag:s4] =	ssyncadd.s32 $0xFFFFFE00  }
0x96: {  	p0 =	por $0x0, $0x0;
	_ =	swait.ge [sflag:s4], $0x200  }
0x97: {  	s14 =	simm.s32 @!p0 $0x0;
	s11 =	rddreg [dreg:$0x8];
	[sflag:s4] =	ssyncset.done $0x0  }
0x98: {  	s13 =	rddreg [dreg:$0x7];
	[sflag:s4] =	ssyncadd.s32 $0xFFFFFE00;
	s11 =	sadd.s32 @!p0 $0x0, s11  }
0x99: {  	[tilespmem:s14], [sflag:$0x1] =	stream.linear.gather @!p0 [hbm4b:s11+s14], $0x200, $0x38;
	[tilespmem:$0x1F500] =	vst v63  }
0x9a: {  	s12 =	rddreg [dreg:$0x6];
	s11 =	sadd.s32 @!p0 $0x0, s13;
	s13 =	simm.s32 @!p0 $0x400  }
0x9b: {  	[tilespmem:s13], [sflag:$0x1] =	stream.linear.gather @!p0 [hbm4b:s11+s14], $0x200, $0x38;
	[tilespmem:$0x1F500] =	vst v63  }
0x9c: {  	s11 =	sadd.s32 @!p0 $0x0, s12;
	s12 =	simm.s32 @!p0 $0x800  }
0x9d: {  	[tilespmem:s12], [sflag:$0x1] =	stream.linear.gather @!p0 [hbm4b:s11+s14], $0x200, $0x38;
	[tilespmem:$0x1F500] =	vst v63  }
0x9e: {  	_ = 	snop  }
0x9f: {  	[tilespmem:s25], [sflag:$0x3] =	stream.indirect.gather [hbm4b:s1+s24], $0x80, s21, s24, $0xb8;
	[tilespmem:$0x1F500] =	vst v63  }
0xa0: {  	s14 =	rddreg [dreg:$0x14]  }
0xa1: {  	[tilespmem:s26], [sflag:$0x4] =	stream.indirect.gather [hbm4b:s1+s24], $0x80, s14, s24, $0xb8;
	[tilespmem:$0x1F500] =	vst v63  }
0xa2: {  	_ =	swait.ge [sflag:s28], $0x4000  }
0xa3: {  	[sflag:s28] =	ssyncset.done $0x0  }
0xa4: {  	[sflag:s28] =	ssyncadd.s32 $0xFFFFC000  }
0xa5: {  	[spmem:s2] =	stream.indirect.scatter.add.f32 [tilespmem:s25], [sflag:$0x5], $0x80, s22, s24, $0xb8;
	[tilespmem:$0x1F500] =	vst v63  }
0xa6: {  	_ = 	snop  }
0xa7: {  	[spmem:s3] =	stream.indirect.scatter.add.f32 [tilespmem:s29], [sflag:$0x7], $0x1, s23, s24, $0xb8;
	[tilespmem:$0x1F500] =	vst v63  }
0xa8: {  	_ =	swait.ge [sflag:s30], $0x4000  }
0xa9: {  	[sflag:s30] =	ssyncset.done $0x0  }
0xaa: {  	s15 =	rddreg [dreg:$0x15];
	[sflag:s30] =	ssyncadd.s32 $0xFFFFC000  }
0xab: {  	[spmem:s2] =	stream.indirect.scatter.add.f32 [tilespmem:s26], [sflag:$0x6], $0x80, s15, s24, $0xb8;
	[tilespmem:$0x1F500] =	vst v63  }
0xac: {  	s16 =	rddreg [dreg:$0x16]  }
0xad: {  	[spmem:s3] =	stream.indirect.scatter.add.f32 [tilespmem:s29], [sflag:$0x7], $0x1, s16, s24, $0xb8;
	[tilespmem:$0x1F500] =	vst v63  }
0xae: {  	_ =	swait.ge [sflag:s31], $0x4000  }
0xaf: {  	[sflag:s31] =	ssyncset.done $0x0  }
0xb0: {  	s12 =	rddreg [dreg:$0x17];
	[sflag:s31] =	ssyncadd.s32 $0xFFFFC000  }
0xb1: {  	[tilespmem:s25], [sflag:$0x3] =	stream.indirect.gather [hbm4b:s1+s24], $0x80, s12, s24, $0xb8;
	[tilespmem:$0x1F500] =	vst v63  }
0xb2: {  	_ =	swait.ge [sflag:s0], $0x4000  }
0xb3: {  	[sflag:s0] =	ssyncset.done $0x0  }
0xb4: {  	s13 =	rddreg [dreg:$0x18];
	[sflag:s0] =	ssyncadd.s32 $0xFFFFC000  }
0xb5: {  	[tilespmem:s26], [sflag:$0x4] =	stream.indirect.gather [hbm4b:s1+s24], $0x80, s13, s24, $0xb8;
	[tilespmem:$0x1F500] =	vst v63  }
0xb6: {  	_ =	swait.ge [sflag:s28], $0x4000  }
0xb7: {  	[sflag:s28] =	ssyncset.done $0x0  }
0xb8: {  	s14 =	rddreg [dreg:$0x19];
	[sflag:s28] =	ssyncadd.s32 $0xFFFFC000  }
0xb9: {  	[spmem:s2] =	stream.indirect.scatter.add.f32 [tilespmem:s25], [sflag:$0x5], $0x80, s14, s24, $0xb8;
	[tilespmem:$0x1F500] =	vst v63  }
0xba: {  	s15 =	rddreg [dreg:$0x1a]  }
0xbb: {  	[spmem:s3] =	stream.indirect.scatter.add.f32 [tilespmem:s29], [sflag:$0x7], $0x1, s15, s24, $0xb8;
	[tilespmem:$0x1F500] =	vst v63  }
0xbc: {  	_ =	swait.ge [sflag:s30], $0x4000  }
0xbd: {  	[sflag:s30] =	ssyncset.done $0x0  }
0xbe: {  	s16 =	rddreg [dreg:$0x1b];
	[sflag:s30] =	ssyncadd.s32 $0xFFFFC000  }
0xbf: {  	[spmem:s2] =	stream.indirect.scatter.add.f32 [tilespmem:s26], [sflag:$0x6], $0x80, s16, s24, $0xb8;
	[tilespmem:$0x1F500] =	vst v63  }
0xc0: {  	_ = 	snop  }
0xc1: {  	[spmem:s3] =	stream.indirect.scatter.add.f32 [tilespmem:s29], [sflag:$0x7], $0x1, s6, s24, $0xb8;
	[tilespmem:$0x1F500] =	vst v63  }
0xc2: {  	_ =	swait.ge [sflag:s31], $0x4000  }
0xc3: {  	[sflag:s31] =	ssyncset.done $0x0  }
0xc4: {  	[sflag:s31] =	ssyncadd.s32 $0xFFFFC000  }
0xc5: {  	_ =	swait.ge [sflag:s0], $0x4000  }
0xc6: {  	[sflag:s0] =	ssyncset.done $0x0  }
0xc7: {  	[sflag:s0] =	ssyncadd.s32 $0xFFFFC000  }
0xc8: {  	_ =	swait.ge [sflag:s17], $0x80  }
0xc9: {  	[sflag:s17] =	ssyncset.done $0x0  }
0xca: {  	[sflag:s17] =	ssyncadd.s32 $0xFFFFFF80  }
0xcb: {  	_ =	swait.ge [sflag:s17], $0x80  }
0xcc: {  	[sflag:s17] =	ssyncset.done $0x0  }
0xcd: {  	[sflag:s17] =	ssyncadd.s32 $0xFFFFFF80  }
0xce: {  	_ =	swait.ge [sflag:s17], $0x80  }
0xcf: {  	[sflag:s17] =	ssyncset.done $0x0  }
0xd0: {  	[sflag:s17] =	ssyncadd.s32 $0xFFFFFF80  }
0xd1: {  	_ =	swait.ge [sflag:s17], $0x80  }
0xd2: {  	s11 =	simm.s32 $0x80;
	[sflag:s17] =	ssyncset.done $0x0  }
.LBB2_2:
0xd3: {  	[sflag:s17] =	ssyncadd.s32 $0xFFFFFF80  }
0xd4: {  	_ =	swait.ge [sflag:s20], $0x200  }
0xd5: {  	[sflag:s20] =	ssyncset.done $0x0  }
0xd6: {  	[sflag:s20] =	ssyncadd.s32 $0xFFFFFE00  }
0xd7: {  	_ =	swait.ge [sflag:s20], $0x200  }
0xd8: {  	[sflag:s20] =	ssyncset.done $0x0  }
0xd9: {  	[sflag:s20] =	ssyncadd.s32 $0xFFFFFE00  }
0xda: {  	_ =	swait.ge [sflag:s20], $0x200  }
0xdb: {  	s12 =	smov.u32 s11;
	s13 =	rddreg [dreg:$0x9];
	[sflag:s20] =	ssyncset.done $0x0  }
0xdc: {  	s14 =	rddreg [dreg:$0xa];
	[sflag:s20] =	ssyncadd.s32 $0xFFFFFE00;
	s13 =	sadd.s32 s12, s13  }
0xdd: {  	[tilespmem:s21], [sflag:$0x2] =	stream.linear.gather [hbm4b:s13+s5], $0x200, $0x38;
	[tilespmem:$0x1F500] =	vst v63  }
0xde: {  	s15 =	rddreg [dreg:$0xb];
	s14 =	sadd.s32 s12, s14  }
0xdf: {  	[tilespmem:s22], [sflag:$0x2] =	stream.linear.gather [hbm4b:s14+s5], $0x200, $0x38;
	[tilespmem:$0x1F500] =	vst v63  }
0xe0: {  	s16 =	sadd.s32 s12, s15  }
0xe1: {  	[tilespmem:s23], [sflag:$0x2] =	stream.linear.gather [hbm4b:s16+s5], $0x200, $0x38;
	[tilespmem:$0x1F500] =	vst v63  }
0xe2: {  	_ = 	snop  }
0xe3: {  	[tilespmem:s25], [sflag:$0x3] =	stream.indirect.gather [hbm4b:s1+s24], $0x80, s5, s24, $0xb8;
	[tilespmem:$0x1F500] =	vst v63  }
0xe4: {  	_ = 	snop  }
0xe5: {  	[tilespmem:s26], [sflag:$0x4] =	stream.indirect.gather [hbm4b:s1+s24], $0x80, s24, s24, $0xb8;
	[tilespmem:$0x1F500] =	vst v63  }
0xe6: {  	_ =	swait.ge [sflag:s28], $0x4000  }
0xe7: {  	[sflag:s28] =	ssyncset.done $0x0  }
0xe8: {  	[sflag:s28] =	ssyncadd.s32 $0xFFFFC000  }
0xe9: {  	[spmem:s2] =	stream.indirect.scatter.add.f32 [tilespmem:s25], [sflag:$0x5], $0x80, s18, s24, $0xb8;
	[tilespmem:$0x1F500] =	vst v63  }
0xea: {  	_ = 	snop  }
0xeb: {  	[spmem:s3] =	stream.indirect.scatter.add.f32 [tilespmem:s29], [sflag:$0x7], $0x1, s19, s24, $0xb8;
	[tilespmem:$0x1F500] =	vst v63  }
0xec: {  	_ =	swait.ge [sflag:s30], $0x4000  }
0xed: {  	[sflag:s30] =	ssyncset.done $0x0  }
0xee: {  	s14 =	rddreg [dreg:$0xc];
	[sflag:s30] =	ssyncadd.s32 $0xFFFFC000  }
0xef: {  	[spmem:s2] =	stream.indirect.scatter.add.f32 [tilespmem:s26], [sflag:$0x6], $0x80, s14, s24, $0xb8;
	[tilespmem:$0x1F500] =	vst v63  }
0xf0: {  	s15 =	rddreg [dreg:$0xd]  }
0xf1: {  	[spmem:s3] =	stream.indirect.scatter.add.f32 [tilespmem:s29], [sflag:$0x7], $0x1, s15, s24, $0xb8;
	[tilespmem:$0x1F500] =	vst v63  }
0xf2: {  	_ =	swait.ge [sflag:s31], $0x4000  }
0xf3: {  	[sflag:s31] =	ssyncset.done $0x0  }
0xf4: {  	s16 =	rddreg [dreg:$0xe];
	[sflag:s31] =	ssyncadd.s32 $0xFFFFC000  }
0xf5: {  	[tilespmem:s25], [sflag:$0x3] =	stream.indirect.gather [hbm4b:s1+s24], $0x80, s16, s24, $0xb8;
	[tilespmem:$0x1F500] =	vst v63  }
0xf6: {  	_ =	swait.ge [sflag:s0], $0x4000  }
0xf7: {  	[sflag:s0] =	ssyncset.done $0x0  }
0xf8: {  	s14 =	rddreg [dreg:$0xf];
	[sflag:s0] =	ssyncadd.s32 $0xFFFFC000  }
0xf9: {  	[tilespmem:s26], [sflag:$0x4] =	stream.indirect.gather [hbm4b:s1+s24], $0x80, s14, s24, $0xb8;
	[tilespmem:$0x1F500] =	vst v63  }
0xfa: {  	_ =	swait.ge [sflag:s28], $0x4000  }
0xfb: {  	[sflag:s28] =	ssyncset.done $0x0  }
0xfc: {  	s15 =	rddreg [dreg:$0x10];
	[sflag:s28] =	ssyncadd.s32 $0xFFFFC000  }
0xfd: {  	[spmem:s2] =	stream.indirect.scatter.add.f32 [tilespmem:s25], [sflag:$0x5], $0x80, s15, s24, $0xb8;
	[tilespmem:$0x1F500] =	vst v63  }
0xfe: {  	s16 =	rddreg [dreg:$0x11]  }
0xff: {  	[spmem:s3] =	stream.indirect.scatter.add.f32 [tilespmem:s29], [sflag:$0x7], $0x1, s16, s24, $0xb8;
	[tilespmem:$0x1F500] =	vst v63  }
0x100: {  	_ =	swait.ge [sflag:s30], $0x4000  }
0x101: {  	[sflag:s30] =	ssyncset.done $0x0  }
0x102: {  	s15 =	rddreg [dreg:$0x12];
	[sflag:s30] =	ssyncadd.s32 $0xFFFFC000  }
0x103: {  	[spmem:s2] =	stream.indirect.scatter.add.f32 [tilespmem:s26], [sflag:$0x6], $0x80, s15, s24, $0xb8;
	[tilespmem:$0x1F500] =	vst v63  }
0x104: {  	s16 =	rddreg [dreg:$0x13]  }
0x105: {  	[spmem:s3] =	stream.indirect.scatter.add.f32 [tilespmem:s29], [sflag:$0x7], $0x1, s16, s24, $0xb8;
	[tilespmem:$0x1F500] =	vst v63  }
0x106: {  	_ =	swait.ge [sflag:s31], $0x4000  }
0x107: {  	[sflag:s31] =	ssyncset.done $0x0  }
0x108: {  	[sflag:s31] =	ssyncadd.s32 $0xFFFFC000  }
0x109: {  	_ =	swait.ge [sflag:s0], $0x4000  }
0x10a: {  	[sflag:s0] =	ssyncset.done $0x0  }
0x10b: {  	[sflag:s0] =	ssyncadd.s32 $0xFFFFC000  }
0x10c: {  	_ =	swait.ge [sflag:s17], $0x80  }
0x10d: {  	[sflag:s17] =	ssyncset.done $0x0  }
0x10e: {  	[sflag:s17] =	ssyncadd.s32 $0xFFFFFF80  }
0x10f: {  	_ =	swait.ge [sflag:s17], $0x80  }
0x110: {  	[sflag:s17] =	ssyncset.done $0x0  }
0x111: {  	[sflag:s17] =	ssyncadd.s32 $0xFFFFFF80  }
0x112: {  	_ =	swait.ge [sflag:s17], $0x80  }
0x113: {  	[sflag:s17] =	ssyncset.done $0x0  }
0x114: {  	[sflag:s17] =	ssyncadd.s32 $0xFFFFFF80  }
0x115: {  	_ =	swait.ge [sflag:s17], $0x80  }
0x116: {  	[sflag:s17] =	ssyncset.done $0x0  }
0x117: {  	[sflag:s17] =	ssyncadd.s32 $0xFFFFFF80  }
0x118: {  	_ =	swait.ge [sflag:s4], $0x200  }
0x119: {  	[sflag:s4] =	ssyncset.done $0x0  }
0x11a: {  	[sflag:s4] =	ssyncadd.s32 $0xFFFFFE00  }
0x11b: {  	_ =	swait.ge [sflag:s4], $0x200  }
0x11c: {  	[sflag:s4] =	ssyncset.done $0x0  }
0x11d: {  	[sflag:s4] =	ssyncadd.s32 $0xFFFFFE00  }
0x11e: {  	p1 =	seq.s32 s12, $0x480;
	_ =	swait.ge [sflag:s4], $0x200  }
0x11f: {  	s16 =	simm.s32 @!p1 $0x0;
	s13 =	rddreg [dreg:$0x8];
	[sflag:s4] =	ssyncset.done $0x0  }
0x120: {  	s15 =	rddreg [dreg:$0x7];
	[sflag:s4] =	ssyncadd.s32 $0xFFFFFE00;
	s13 =	sadd.s32 @!p1 s12, s13  }
0x121: {  	[tilespmem:s16], [sflag:$0x1] =	stream.linear.gather @!p1 [hbm4b:s13+s16], $0x200, $0x38;
	[tilespmem:$0x1F500] =	vst v63  }
0x122: {  	s14 =	rddreg [dreg:$0x6];
	s13 =	sadd.s32 @!p1 s12, s15;
	s15 =	simm.s32 @!p1 $0x400  }
0x123: {  	[tilespmem:s15], [sflag:$0x1] =	stream.linear.gather @!p1 [hbm4b:s13+s16], $0x200, $0x38;
	[tilespmem:$0x1F500] =	vst v63  }
0x124: {  	s12 =	sadd.s32 @!p1 s12, s14;
	s13 =	simm.s32 @!p1 $0x800  }
0x125: {  	[tilespmem:s13], [sflag:$0x1] =	stream.linear.gather @!p1 [hbm4b:s12+s16], $0x200, $0x38;
	[tilespmem:$0x1F500] =	vst v63  }
0x126: {  	_ = 	snop  }
0x127: {  	[tilespmem:s25], [sflag:$0x3] =	stream.indirect.gather [hbm4b:s1+s24], $0x80, s21, s24, $0xb8;
	[tilespmem:$0x1F500] =	vst v63  }
0x128: {  	s13 =	rddreg [dreg:$0x14]  }
0x129: {  	[tilespmem:s26], [sflag:$0x4] =	stream.indirect.gather [hbm4b:s1+s24], $0x80, s13, s24, $0xb8;
	[tilespmem:$0x1F500] =	vst v63  }
0x12a: {  	_ =	swait.ge [sflag:s28], $0x4000  }
0x12b: {  	[sflag:s28] =	ssyncset.done $0x0  }
0x12c: {  	[sflag:s28] =	ssyncadd.s32 $0xFFFFC000  }
0x12d: {  	[spmem:s2] =	stream.indirect.scatter.add.f32 [tilespmem:s25], [sflag:$0x5], $0x80, s22, s24, $0xb8;
	[tilespmem:$0x1F500] =	vst v63  }
0x12e: {  	_ = 	snop  }
0x12f: {  	[spmem:s3] =	stream.indirect.scatter.add.f32 [tilespmem:s29], [sflag:$0x7], $0x1, s23, s24, $0xb8;
	[tilespmem:$0x1F500] =	vst v63  }
0x130: {  	_ =	swait.ge [sflag:s30], $0x4000  }
0x131: {  	[sflag:s30] =	ssyncset.done $0x0  }
0x132: {  	s14 =	rddreg [dreg:$0x15];
	[sflag:s30] =	ssyncadd.s32 $0xFFFFC000  }
0x133: {  	[spmem:s2] =	stream.indirect.scatter.add.f32 [tilespmem:s26], [sflag:$0x6], $0x80, s14, s24, $0xb8;
	[tilespmem:$0x1F500] =	vst v63  }
0x134: {  	s15 =	rddreg [dreg:$0x16]  }
0x135: {  	[spmem:s3] =	stream.indirect.scatter.add.f32 [tilespmem:s29], [sflag:$0x7], $0x1, s15, s24, $0xb8;
	[tilespmem:$0x1F500] =	vst v63  }
0x136: {  	_ =	swait.ge [sflag:s31], $0x4000  }
0x137: {  	[sflag:s31] =	ssyncset.done $0x0  }
0x138: {  	s16 =	rddreg [dreg:$0x17];
	[sflag:s31] =	ssyncadd.s32 $0xFFFFC000  }
0x139: {  	[tilespmem:s25], [sflag:$0x3] =	stream.indirect.gather [hbm4b:s1+s24], $0x80, s16, s24, $0xb8;
	[tilespmem:$0x1F500] =	vst v63  }
0x13a: {  	_ =	swait.ge [sflag:s0], $0x4000  }
0x13b: {  	[sflag:s0] =	ssyncset.done $0x0  }
0x13c: {  	s13 =	rddreg [dreg:$0x18];
	[sflag:s0] =	ssyncadd.s32 $0xFFFFC000  }
0x13d: {  	[tilespmem:s26], [sflag:$0x4] =	stream.indirect.gather [hbm4b:s1+s24], $0x80, s13, s24, $0xb8;
	[tilespmem:$0x1F500] =	vst v63  }
0x13e: {  	_ =	swait.ge [sflag:s28], $0x4000  }
0x13f: {  	[sflag:s28] =	ssyncset.done $0x0  }
0x140: {  	s14 =	rddreg [dreg:$0x19];
	[sflag:s28] =	ssyncadd.s32 $0xFFFFC000  }
0x141: {  	[spmem:s2] =	stream.indirect.scatter.add.f32 [tilespmem:s25], [sflag:$0x5], $0x80, s14, s24, $0xb8;
	[tilespmem:$0x1F500] =	vst v63  }
0x142: {  	s15 =	rddreg [dreg:$0x1a]  }
0x143: {  	[spmem:s3] =	stream.indirect.scatter.add.f32 [tilespmem:s29], [sflag:$0x7], $0x1, s15, s24, $0xb8;
	[tilespmem:$0x1F500] =	vst v63  }
0x144: {  	_ =	swait.ge [sflag:s30], $0x4000  }
0x145: {  	[sflag:s30] =	ssyncset.done $0x0  }
0x146: {  	s16 =	rddreg [dreg:$0x1b];
	[sflag:s30] =	ssyncadd.s32 $0xFFFFC000  }
0x147: {  	[spmem:s2] =	stream.indirect.scatter.add.f32 [tilespmem:s26], [sflag:$0x6], $0x80, s16, s24, $0xb8;
	[tilespmem:$0x1F500] =	vst v63  }
0x148: {  	_ = 	snop  }
0x149: {  	[spmem:s3] =	stream.indirect.scatter.add.f32 [tilespmem:s29], [sflag:$0x7], $0x1, s6, s24, $0xb8;
	[tilespmem:$0x1F500] =	vst v63  }
0x14a: {  	_ =	swait.ge [sflag:s31], $0x4000  }
0x14b: {  	[sflag:s31] =	ssyncset.done $0x0  }
0x14c: {  	[sflag:s31] =	ssyncadd.s32 $0xFFFFC000  }
0x14d: {  	_ =	swait.ge [sflag:s0], $0x4000  }
0x14e: {  	[sflag:s0] =	ssyncset.done $0x0  }
0x14f: {  	[sflag:s0] =	ssyncadd.s32 $0xFFFFC000  }
0x150: {  	_ =	swait.ge [sflag:s17], $0x80  }
0x151: {  	[sflag:s17] =	ssyncset.done $0x0  }
0x152: {  	[sflag:s17] =	ssyncadd.s32 $0xFFFFFF80  }
0x153: {  	_ =	swait.ge [sflag:s17], $0x80  }
0x154: {  	s11 =	sadd.s32 $0x80, s11;
	[sflag:s17] =	ssyncset.done $0x0  }
0x155: {  	p0 =	sne.s32 s11, $0x500;
	[sflag:s17] =	ssyncadd.s32 $0xFFFFFF80  }
.Ltmp0:
0x156: {  	_ =	swait.ge [sflag:s17], $0x80;
	(pc) =	sbr.rel @p0 .LBB2_2-.Ltmp0, $4  }
0x157: {  	[sflag:s17] =	ssyncset.done $0x0  }
0x158: {  	[sflag:s17] =	ssyncadd.s32 $0xFFFFFF80  }
0x159: {  	_ =	swait.ge [sflag:s17], $0x80  }
0x15a: {  	[sflag:s17] =	ssyncset.done $0x0  }
0x15b: {  	[sflag:s17] =	ssyncadd.s32 $0xFFFFFF80  }
0x15c: {  	[bflag:$0x0] =	sbarrier.arrive $0xFFFF  }
0x15d: {  	s11 =	sld [smem:$0x7FB];
	_ =	sdelay $0x2  }
0x15e: {  	[hbm:s11], [sflag:s9] =	dma.local [spmem:s8], $0x2780  }
0x15f: {  	s8 =	sld [smem:$0x7FC];
	_ =	sdelay $0x1  }
0x160: {  	s15 =	simm.s32 $0x20;
	s12 =	simm.s32 $0x10  }
0x161: {  	[hbm:s8@s15], [sflag:s9] =	dma.strided [spmem:s10@s12], $0x590, s20, $0x10   }
0x162: {  	_ =	swait.ge [sflag:s17], $0x2780  }
0x163: {  	[sflag:s17] =	ssyncset.done $0x0  }
0x164: {  	[sflag:s17] =	ssyncadd.s32 $0xFFFFD880  }
0x165: {  	_ =	swait.ge [sflag:s17], $0x590  }
0x166: {  	s16 =	sld [smem:$0x7FD];
	_ =	sdelay $0x1  }
0x167: {  	s7 =	sadd.s32 $0x1, s7  }
0x168: {  	p0 =	sne.s32 s7, s16  }
.Ltmp1:
0x169: {  	_ = 	snop;
	(pc) =	sbr.rel @p0 .LBB2_1-.Ltmp1, $3  }
0x16a: {  	_ =	sdelay $0x1  }
0x16b: {  	[sflag:s17] =	ssyncset.done $0x0  }
0x16c: {  	[sflag:s17] =	ssyncadd.s32 $0xFFFFFA70  }
0x16d: {  	_ =	sfence.sel $0x180000  }
0x16e: {  	[bflag:$0x0] =	sbarrier.arrive $0xFFFF  }
0x16f: {  	_ =	strace $0x90000047  }
0x170: {  	s0 =	stileid.u32;
	[bflag:$0x2] =	sbarrier.arrive $0xFFFF  }
0x171: {  	p0 =	sne.s32 s0, $0x0;
	s0 =	rddreg [dreg:$0x5]  }
0x172: {  	s0 =	sadd.s32 @!p0 $0x100000, s0  }
0x173: {  	[sflag:s0] =	ssyncadd.tile.s32 @!p0 $0x1;
	_ =	shalt  }
.Lfunc_end2:
_tile_overlayer_lowered:
.L_overlay_start_2:
0x174: {  	(tag) =	ssettag $0x2  }
0x175: {  	s0 =	rddreg [dreg:$0x0];
	s2 =	stileid.u32  }
0x176: {  	s1 =	rddreg [dreg:$0x1];
	p0 =	sne.s32 s2, $0x0  }
0x177: {  	s3 =	rddreg [dreg:$0x2];
	[bflag:$0x3] =	sbarrier.arrive $0xFFFF;
	s2 =	simm.s32 @!p0 $0x1C08  }
0x178: {  	[timem:s3], [sflag:s2] =	dma.local @!p0 [hbm:s0], s1  }
0x179: {  	s0 =	simm.s32 @!p0 $0x8  }
0x17a: {  	_ =	swait.ge @!p0 [sflag:s0], s1  }
0x17b: {  	s1 =	ssub.s32 @!p0 $0x0, s1;
	[sflag:s0] =	ssyncset.done @!p0 $0x0  }
0x17c: {  	[sflag:s0] =	ssyncadd.s32 @!p0 s1  }
0x17d: {  	[bflag:$0x3] =	sbarrier.arrive $0xFFFF  }
0x17e: {  	_ =	shalt  }

</sc_bundles>
